<compile_context>
chip_gen: v7x
topology: tpu7x:2x2x1
jax: 0.10.2.dev20260603
libtpu: 0.0.44.dev20260713+nightly
codegen_flags: <defaults>
</compile_context>

<pallas_src>
import functools
import math

import jax
import jax.numpy as jnp
from jax import lax
from jax.experimental import pallas as pl
from jax.experimental.pallas import tpu as pltpu
from jax.experimental.pallas import tpu_sc as plsc

_CHUNK = 256
_NBUF = 2


def _pe_table(L, E, rows):

  def body(o_ref):
    r = lax.broadcasted_iota(jnp.int32, (rows, 128), 0)
    c = lax.broadcasted_iota(jnp.int32, (rows, 128), 1)
    pos = (r % L).astype(jnp.float32) + 1.0
    expnt = (2 * (c >> 1)).astype(jnp.float32) * (math.log(10000.0) / E)
    ang = pos * jnp.exp(-expnt)
    pe = jnp.where(c % 2 == 0, jnp.cos(ang), jnp.sin(ang))
    o_ref[...] = jnp.where(c < E, pe, 0.0)

  return pl.pallas_call(
      body, out_shape=jax.ShapeDtypeStruct((rows, 128), jnp.float32))()


@functools.cache
def _make_emb(B, L, E):
  info = plsc.get_sparse_core_info()
  NC, NS = info.num_cores, info.num_subcores
  NW = NC * NS
  T = B * L
  assert T % (NW * _CHUNK) == 0 and E == 64
  tok_per_w = T // NW
  n_chunks = tok_per_w // _CHUNK
  pe_rows = L + _CHUNK
  mesh = plsc.VectorSubcoreMesh(core_axis_name="c", subcore_axis_name="s")

  @functools.partial(
      pl.kernel,
      out_type=jax.ShapeDtypeStruct((T * E,), jnp.float32),
      mesh=mesh,
      scratch_types=[
          pltpu.VMEM((_NBUF, _CHUNK), jnp.int32),
          pltpu.VMEM((_NBUF, _CHUNK, 128), jnp.float32),
          pltpu.VMEM((_NBUF, _CHUNK * E), jnp.float32),
          pltpu.VMEM_SHARED((pe_rows, 128), jnp.float32),
          pltpu.SemaphoreType.DMA,
          pltpu.SemaphoreType.DMA,
      ],
  )
  def emb(x_hbm, w_hbm, pe_hbm, out_hbm, idx_v, rows_v, out1_v, pe_sh,
          gsem, osem):
    sid = lax.axis_index("s")
    wid = sid * NC + lax.axis_index("c")
    tok0 = wid * tok_per_w

    @pl.when(sid == 0)
    def _fill_pe():
      pltpu.sync_copy(pe_hbm, pe_sh)

    plsc.subcore_barrier()

    def issue(k, buf):
      start = tok0 + k * _CHUNK
      pltpu.sync_copy(x_hbm.at[pl.ds(start, _CHUNK)], idx_v.at[buf])
      off = lax.rem(start, L)
      pltpu.sync_copy(pe_sh.at[pl.ds(off, _CHUNK)], rows_v.at[buf])
      for j in range(_CHUNK // 128):
        pltpu.async_copy(
            w_hbm.at[idx_v.at[buf].at[pl.ds(j * 128, 128)]],
            rows_v.at[buf].at[pl.ds(j * 128, 128)], gsem, add=True)

    def drain_gather(buf):
      for j in range(_CHUNK // 128):
        pltpu.make_async_copy(
            w_hbm.at[pl.ds(0, 128)],
            rows_v.at[buf].at[pl.ds(j * 128, 128)], gsem).wait()

    issue(0, 0)

    def chunk_body(k, carry):
      buf = lax.rem(k, _NBUF)

      @pl.when(k >= 2)
      def _drain_out():
        pltpu.make_async_copy(
            out1_v.at[0], out_hbm.at[pl.ds(0, _CHUNK * E)], osem).wait()

      @pl.when(k + 1 < n_chunks)
      def _issue_next():
        issue(k + 1, lax.rem(k + 1, _NBUF))

      drain_gather(buf)

      def r_body(r, c):
        for jj in range(E // 16):
          out1_v[buf, pl.ds(r * E + jj * 16, 16)] = (
              rows_v[buf, r, pl.ds(jj * 16, 16)])
        return c

      lax.fori_loop(0, _CHUNK, r_body, 0)

      oflat = pl.multiple_of((tok0 + k * _CHUNK) * E, _CHUNK * E)
      pltpu.async_copy(
          out1_v.at[buf], out_hbm.at[pl.ds(oflat, _CHUNK * E)], osem)
      return carry

    lax.fori_loop(0, n_chunks, chunk_body, 0)
    for _ in range(2):
      pltpu.make_async_copy(
          out1_v.at[0], out_hbm.at[pl.ds(0, _CHUNK * E)], osem).wait()

  return emb


def kernel(x_batch, W):
  B, L = x_batch.shape
  _, E = W.shape
  pe = _pe_table(L, E, L + _CHUNK)
  x = x_batch.astype(jnp.int32).reshape(B * L)
  W128 = jnp.pad(W, ((0, 0), (0, 128 - E)))
  out = _make_emb(B, L, E)(x, W128, pe)
  return out.reshape(B, L, E)

# --- scband reference (transcript-rebuilt; emitter-appended) ---
"""Pipeline reference for scband-positional-embedding-75960791597350 (READ-ONLY COPY).

The authoritative reference and input builder live on the scoring server;
editing this copy changes nothing except your own understanding.
"""

import jax, jax.numpy as jnp
import numpy as np

VOCAB = 1000000
EMBED = 64
NUM_HIDDEN = 64
B = 4096
L = 200


def _positional_encoding(src_len, embedding_size, num_hidden):
    pos = jnp.arange(embedding_size)
    denom = jnp.power(10000.0, (2 * (pos // 2)) / num_hidden)
    words = jnp.arange(1, src_len + 1, dtype=jnp.float32)
    ang = words[:, None] / denom[None, :]
    # original code: cos on even positions, sin on odd positions
    pe = jnp.where(pos[None, :] % 2 == 0, jnp.cos(ang), jnp.sin(ang))
    return pe.astype(jnp.float32)


def setup_inputs(seed: int = 0) -> dict:
    key = jax.random.key(seed)
    k1, k2 = jax.random.split(key)
    x_batch = jax.random.randint(k1, (B, L), 0, VOCAB)
    W = jax.random.normal(k2, (VOCAB, EMBED), dtype=jnp.float32)
    return {"x_batch": x_batch, "W": W}


def reference(x_batch, W):
    # embedding lookup (gather)
    x_embedding = jnp.take(W, x_batch, axis=0)
    # positional encoding, broadcast over batch
    pe = _positional_encoding(x_batch.shape[1], EMBED, NUM_HIDDEN)
    return x_embedding + pe[None, :, :]

if __name__ == "__main__":
    import jax
    _d = setup_inputs()
    print(jax.jit(kernel)(*tuple(_d.values())))

</pallas_src>

<mosaic_0001>
#map = affine_map<(d0, d1) -> (0)>
#map1 = affine_map<(d0, d1) -> (0, 0)>
module attributes {stable_mosaic.version = 14 : i64} {
  func.func @emb(%arg0: i32, %arg1: i32, %arg2: memref<819200xi32, #tpu.memory_space<hbm>>, %arg3: memref<1000000x128xf32, #tpu.memory_space<hbm>>, %arg4: memref<456x128xf32, #tpu.memory_space<hbm>>, %arg5: memref<52428800xf32, #tpu.memory_space<hbm>>, %arg6: memref<2x256xi32, #tpu.memory_space<vmem>>, %arg7: memref<2x256x128xf32, #tpu.memory_space<vmem>>, %arg8: memref<2x16384xf32, #tpu.memory_space<vmem>>, %arg9: memref<456x128xf32, #tpu.memory_space<vmem_shared>>, %arg10: memref<!tpu.dma_semaphore, #tpu.memory_space<semaphore_mem>>, %arg11: memref<!tpu.dma_semaphore, #tpu.memory_space<semaphore_mem>>) attributes {dimension_semantics = [#tpu.dimension_semantics<core_parallel>, #tpu.dimension_semantics<subcore_parallel>], iteration_bounds = array<i64: 2, 16>, scalar_prefetch = 0 : i64, scratch_operands = 6 : i64, tpu.core_type = #tpu.core_type<sc_vector_subcore>, window_params = [{transform_indices = #map}, {transform_indices = #map1}, {transform_indices = #map1}, {transform_indices = #map}]} {
    %mul3A = arith.constant 2 : i32
    %mul3A_0 = arith.muli %arg1, %mul3A : i32
    %add3A = arith.addi %mul3A_0, %arg0 : i32
    %mul3A_1 = arith.constant 25600 : i32
    %mul3A_2 = arith.muli %add3A, %mul3A_1 : i32
    %eq3A = arith.constant 0 : i32
    %eq3A_3 = arith.cmpi eq, %arg1, %eq3A : i32
    %convert_element_type3A = arith.extui %eq3A_3 : i1 to i32
    %cond3A = arith.constant 0 : i32
    %cond3A_4 = arith.cmpi ne, %convert_element_type3A, %cond3A : i32
    scf.if %cond3A_4 {
      "tpu.region"() ({
        %run_scoped3A_68 = tpu.sem_alloc : memref<!tpu.dma_semaphore, #tpu.memory_space<semaphore_mem>>
        tpu.enqueue_dma source(%arg4 : memref<456x128xf32, #tpu.memory_space<hbm>>) target(%arg9 : memref<456x128xf32, #tpu.memory_space<vmem_shared>>) target_semaphore(%run_scoped3A_68 : memref<!tpu.dma_semaphore, #tpu.memory_space<semaphore_mem>>)
        tpu.wait_dma2 semaphore(%run_scoped3A_68 : memref<!tpu.dma_semaphore, #tpu.memory_space<semaphore_mem>>) src(%arg4 : memref<456x128xf32, #tpu.memory_space<hbm>>) dst(%arg9 : memref<456x128xf32, #tpu.memory_space<vmem_shared>>)
        tpu.yield
      }) : () -> ()
    } else {
    }
    %barrier3A = arith.constant 0 : index
    tpu.barrier barrier_id(%barrier3A)
    %add3A_5 = arith.constant 0 : i32
    %add3A_6 = arith.addi %mul3A_2, %add3A_5 : i32
    %run_scoped3A = arith.constant 0 : i32
    "tpu.region"() ({
      %run_scoped3A_68 = tpu.sem_alloc : memref<!tpu.dma_semaphore, #tpu.memory_space<semaphore_mem>>
      %dma_start3A_69 = arith.constant 0 : i32
      %dma_start3A_70 = tpu.memref_slice %arg6[%run_scoped3A, %dma_start3A_69] : memref<2x256xi32, #tpu.memory_space<vmem>> -> memref<1x256xi32, #tpu.memory_space<vmem>>
      %dma_start3A_71 = tpu.memref_squeeze %dma_start3A_70 : memref<1x256xi32, #tpu.memory_space<vmem>> -> memref<256xi32, #tpu.memory_space<vmem>>
      %dma_start3A_72 = tpu.memref_slice %arg2[%add3A_6] : memref<819200xi32, #tpu.memory_space<hbm>> -> memref<256xi32, #tpu.memory_space<hbm>>
      %dma_start3A_73 = arith.constant 0 : i32
      %dma_start3A_74 = tpu.memref_slice %arg6[%run_scoped3A, %dma_start3A_73] : memref<2x256xi32, #tpu.memory_space<vmem>> -> memref<1x256xi32, #tpu.memory_space<vmem>>
      %dma_start3A_75 = tpu.memref_squeeze %dma_start3A_74 : memref<1x256xi32, #tpu.memory_space<vmem>> -> memref<256xi32, #tpu.memory_space<vmem>>
      %dma_start3A_76 = tpu.memref_slice %arg2[%add3A_6] : memref<819200xi32, #tpu.memory_space<hbm>> -> memref<256xi32, #tpu.memory_space<hbm>>
      tpu.enqueue_dma source(%dma_start3A_76 : memref<256xi32, #tpu.memory_space<hbm>>) target(%dma_start3A_75 : memref<256xi32, #tpu.memory_space<vmem>>) target_semaphore(%run_scoped3A_68 : memref<!tpu.dma_semaphore, #tpu.memory_space<semaphore_mem>>)
      %dma_wait3A_77 = arith.constant 0 : i32
      %dma_wait3A_78 = tpu.memref_slice %arg6[%run_scoped3A, %dma_wait3A_77] : memref<2x256xi32, #tpu.memory_space<vmem>> -> memref<1x256xi32, #tpu.memory_space<vmem>>
      %dma_wait3A_79 = tpu.memref_squeeze %dma_wait3A_78 : memref<1x256xi32, #tpu.memory_space<vmem>> -> memref<256xi32, #tpu.memory_space<vmem>>
      %dma_wait3A_80 = tpu.memref_slice %arg2[%add3A_6] : memref<819200xi32, #tpu.memory_space<hbm>> -> memref<256xi32, #tpu.memory_space<hbm>>
      %dma_wait3A_81 = arith.constant 0 : i32
      %dma_wait3A_82 = tpu.memref_slice %arg6[%run_scoped3A, %dma_wait3A_81] : memref<2x256xi32, #tpu.memory_space<vmem>> -> memref<1x256xi32, #tpu.memory_space<vmem>>
      %dma_wait3A_83 = tpu.memref_squeeze %dma_wait3A_82 : memref<1x256xi32, #tpu.memory_space<vmem>> -> memref<256xi32, #tpu.memory_space<vmem>>
      %dma_wait3A_84 = tpu.memref_slice %arg2[%add3A_6] : memref<819200xi32, #tpu.memory_space<hbm>> -> memref<256xi32, #tpu.memory_space<hbm>>
      tpu.wait_dma2 semaphore(%run_scoped3A_68 : memref<!tpu.dma_semaphore, #tpu.memory_space<semaphore_mem>>) src(%dma_wait3A_84 : memref<256xi32, #tpu.memory_space<hbm>>) dst(%dma_wait3A_83 : memref<256xi32, #tpu.memory_space<vmem>>)
      tpu.yield
    }) : () -> ()
    %rem3A = arith.constant 200 : i32
    %rem3A_7 = arith.remsi %add3A_6, %rem3A : i32
    %run_scoped3A_8 = arith.constant 0 : i32
    "tpu.region"() ({
      %run_scoped3A_68 = tpu.sem_alloc : memref<!tpu.dma_semaphore, #tpu.memory_space<semaphore_mem>>
      %dma_start3A_69 = arith.constant 0 : i32
      %dma_start3A_70 = arith.constant 0 : i32
      %dma_start3A_71 = tpu.memref_slice %arg7[%run_scoped3A_8, %dma_start3A_69, %dma_start3A_70] : memref<2x256x128xf32, #tpu.memory_space<vmem>> -> memref<1x256x128xf32, #tpu.memory_space<vmem>>
      %dma_start3A_72 = tpu.memref_squeeze %dma_start3A_71 : memref<1x256x128xf32, #tpu.memory_space<vmem>> -> memref<256x128xf32, #tpu.memory_space<vmem>>
      %dma_start3A_73 = arith.constant 0 : i32
      %dma_start3A_74 = tpu.memref_slice %arg9[%rem3A_7, %dma_start3A_73] : memref<456x128xf32, #tpu.memory_space<vmem_shared>> -> memref<256x128xf32, #tpu.memory_space<vmem_shared>>
      %dma_start3A_75 = arith.constant 0 : i32
      %dma_start3A_76 = arith.constant 0 : i32
      %dma_start3A_77 = tpu.memref_slice %arg7[%run_scoped3A_8, %dma_start3A_75, %dma_start3A_76] : memref<2x256x128xf32, #tpu.memory_space<vmem>> -> memref<1x256x128xf32, #tpu.memory_space<vmem>>
      %dma_start3A_78 = tpu.memref_squeeze %dma_start3A_77 : memref<1x256x128xf32, #tpu.memory_space<vmem>> -> memref<256x128xf32, #tpu.memory_space<vmem>>
      %dma_start3A_79 = arith.constant 0 : i32
      %dma_start3A_80 = tpu.memref_slice %arg9[%rem3A_7, %dma_start3A_79] : memref<456x128xf32, #tpu.memory_space<vmem_shared>> -> memref<256x128xf32, #tpu.memory_space<vmem_shared>>
      tpu.enqueue_dma source(%dma_start3A_80 : memref<256x128xf32, #tpu.memory_space<vmem_shared>>) target(%dma_start3A_78 : memref<256x128xf32, #tpu.memory_space<vmem>>) target_semaphore(%run_scoped3A_68 : memref<!tpu.dma_semaphore, #tpu.memory_space<semaphore_mem>>)
      %dma_wait3A_81 = arith.constant 0 : i32
      %dma_wait3A_82 = arith.constant 0 : i32
      %dma_wait3A_83 = tpu.memref_slice %arg7[%run_scoped3A_8, %dma_wait3A_81, %dma_wait3A_82] : memref<2x256x128xf32, #tpu.memory_space<vmem>> -> memref<1x256x128xf32, #tpu.memory_space<vmem>>
      %dma_wait3A_84 = tpu.memref_squeeze %dma_wait3A_83 : memref<1x256x128xf32, #tpu.memory_space<vmem>> -> memref<256x128xf32, #tpu.memory_space<vmem>>
      %dma_wait3A_85 = arith.constant 0 : i32
      %dma_wait3A_86 = tpu.memref_slice %arg9[%rem3A_7, %dma_wait3A_85] : memref<456x128xf32, #tpu.memory_space<vmem_shared>> -> memref<256x128xf32, #tpu.memory_space<vmem_shared>>
      %dma_wait3A_87 = arith.constant 0 : i32
      %dma_wait3A_88 = arith.constant 0 : i32
      %dma_wait3A_89 = tpu.memref_slice %arg7[%run_scoped3A_8, %dma_wait3A_87, %dma_wait3A_88] : memref<2x256x128xf32, #tpu.memory_space<vmem>> -> memref<1x256x128xf32, #tpu.memory_space<vmem>>
      %dma_wait3A_90 = tpu.memref_squeeze %dma_wait3A_89 : memref<1x256x128xf32, #tpu.memory_space<vmem>> -> memref<256x128xf32, #tpu.memory_space<vmem>>
      %dma_wait3A_91 = arith.constant 0 : i32
      %dma_wait3A_92 = tpu.memref_slice %arg9[%rem3A_7, %dma_wait3A_91] : memref<456x128xf32, #tpu.memory_space<vmem_shared>> -> memref<256x128xf32, #tpu.memory_space<vmem_shared>>
      tpu.wait_dma2 semaphore(%run_scoped3A_68 : memref<!tpu.dma_semaphore, #tpu.memory_space<semaphore_mem>>) src(%dma_wait3A_92 : memref<256x128xf32, #tpu.memory_space<vmem_shared>>) dst(%dma_wait3A_90 : memref<256x128xf32, #tpu.memory_space<vmem>>)
      tpu.yield
    }) : () -> ()
    %dma_start3A = arith.constant 0 : i32
    %dma_start3A_9 = arith.constant 0 : i32
    %dma_start3A_10 = arith.constant 0 : i32
    %dma_start3A_11 = arith.constant 0 : i32
    %dma_start3A_12 = tpu.memref_slice %arg7[%dma_start3A_9, %dma_start3A_10, %dma_start3A_11] : memref<2x256x128xf32, #tpu.memory_space<vmem>> -> memref<1x256x128xf32, #tpu.memory_space<vmem>>
    %dma_start3A_13 = tpu.memref_squeeze %dma_start3A_12 : memref<1x256x128xf32, #tpu.memory_space<vmem>> -> memref<256x128xf32, #tpu.memory_space<vmem>>
    %dma_start3A_14 = arith.constant 0 : i32
    %dma_start3A_15 = arith.constant 0 : i32
    %dma_start3A_16 = tpu.memref_slice %dma_start3A_13[%dma_start3A_14, %dma_start3A_15] : memref<256x128xf32, #tpu.memory_space<vmem>> -> memref<128x128xf32, #tpu.memory_space<vmem>>
    %dma_start3A_17 = arith.constant 0 : i32
    %dma_start3A_18 = tpu.memref_slice %arg6[%dma_start3A, %dma_start3A_17] : memref<2x256xi32, #tpu.memory_space<vmem>> -> memref<1x256xi32, #tpu.memory_space<vmem>>
    %dma_start3A_19 = tpu.memref_squeeze %dma_start3A_18 : memref<1x256xi32, #tpu.memory_space<vmem>> -> memref<256xi32, #tpu.memory_space<vmem>>
    %dma_start3A_20 = arith.constant 0 : i32
    %dma_start3A_21 = tpu.memref_slice %dma_start3A_19[%dma_start3A_20] : memref<256xi32, #tpu.memory_space<vmem>> -> memref<128xi32, #tpu.memory_space<vmem>>
    %dma_start3A_22 = arith.constant 0 : i32
    %dma_start3A_23 = arith.constant 0 : i32
    %dma_start3A_24 = tpu.memref_slice %arg3[%dma_start3A_22, %dma_start3A_23] : memref<1000000x128xf32, #tpu.memory_space<hbm>> -> memref<1000000x128xf32, #tpu.memory_space<hbm>>
    tpu.enqueue_indirect_dma source(%dma_start3A_24 : memref<1000000x128xf32, #tpu.memory_space<hbm>>) target(%dma_start3A_16 : memref<128x128xf32, #tpu.memory_space<vmem>>) offsets(%dma_start3A_21 : memref<128xi32, #tpu.memory_space<vmem>>) semaphore(%arg10 : memref<!tpu.dma_semaphore, #tpu.memory_space<semaphore_mem>>) {add = true}
    %dma_start3A_25 = arith.constant 0 : i32
    %dma_start3A_26 = arith.constant 0 : i32
    %dma_start3A_27 = arith.constant 0 : i32
    %dma_start3A_28 = arith.constant 0 : i32
    %dma_start3A_29 = tpu.memref_slice %arg7[%dma_start3A_26, %dma_start3A_27, %dma_start3A_28] : memref<2x256x128xf32, #tpu.memory_space<vmem>> -> memref<1x256x128xf32, #tpu.memory_space<vmem>>
    %dma_start3A_30 = tpu.memref_squeeze %dma_start3A_29 : memref<1x256x128xf32, #tpu.memory_space<vmem>> -> memref<256x128xf32, #tpu.memory_space<vmem>>
    %dma_start3A_31 = arith.constant 128 : i32
    %dma_start3A_32 = arith.constant 0 : i32
    %dma_start3A_33 = tpu.memref_slice %dma_start3A_30[%dma_start3A_31, %dma_start3A_32] : memref<256x128xf32, #tpu.memory_space<vmem>> -> memref<128x128xf32, #tpu.memory_space<vmem>>
    %dma_start3A_34 = arith.constant 0 : i32
    %dma_start3A_35 = tpu.memref_slice %arg6[%dma_start3A_25, %dma_start3A_34] : memref<2x256xi32, #tpu.memory_space<vmem>> -> memref<1x256xi32, #tpu.memory_space<vmem>>
    %dma_start3A_36 = tpu.memref_squeeze %dma_start3A_35 : memref<1x256xi32, #tpu.memory_space<vmem>> -> memref<256xi32, #tpu.memory_space<vmem>>
    %dma_start3A_37 = arith.constant 128 : i32
    %dma_start3A_38 = tpu.memref_slice %dma_start3A_36[%dma_start3A_37] : memref<256xi32, #tpu.memory_space<vmem>> -> memref<128xi32, #tpu.memory_space<vmem>>
    %dma_start3A_39 = arith.constant 0 : i32
    %dma_start3A_40 = arith.constant 0 : i32
    %dma_start3A_41 = tpu.memref_slice %arg3[%dma_start3A_39, %dma_start3A_40] : memref<1000000x128xf32, #tpu.memory_space<hbm>> -> memref<1000000x128xf32, #tpu.memory_space<hbm>>
    tpu.enqueue_indirect_dma source(%dma_start3A_41 : memref<1000000x128xf32, #tpu.memory_space<hbm>>) target(%dma_start3A_33 : memref<128x128xf32, #tpu.memory_space<vmem>>) offsets(%dma_start3A_38 : memref<128xi32, #tpu.memory_space<vmem>>) semaphore(%arg10 : memref<!tpu.dma_semaphore, #tpu.memory_space<semaphore_mem>>) {add = true}
    %scan3A = arith.constant 0 : i32
    %scan3A_42 = arith.constant 0 : i32
    %scan3A_43 = arith.constant 100 : i32
    %scan3A_44 = arith.addi %scan3A_42, %scan3A_43 : i32
    %scan3A_45 = arith.constant 1 : i32
    scf.for %scan3A_68 = %scan3A_42 to %scan3A_44 step %scan3A_45  : i32 {
      %rem3A_69 = arith.constant 2 : i32
      %rem3A_70 = arith.remsi %scan3A_68, %rem3A_69 : i32
      %ge3A = arith.constant 2 : i32
      %ge3A_71 = arith.cmpi sge, %scan3A_68, %ge3A : i32
      %convert_element_type3A_72 = arith.extui %ge3A_71 : i1 to i32
      %cond3A_73 = arith.constant 0 : i32
      %cond3A_74 = arith.cmpi ne, %convert_element_type3A_72, %cond3A_73 : i32
      scf.if %cond3A_74 {
        %dma_wait3A_140 = arith.constant 0 : i32
        %dma_wait3A_141 = arith.constant 0 : i32
        %dma_wait3A_142 = tpu.memref_slice %arg8[%dma_wait3A_140, %dma_wait3A_141] : memref<2x16384xf32, #tpu.memory_space<vmem>> -> memref<1x16384xf32, #tpu.memory_space<vmem>>
        %dma_wait3A_143 = tpu.memref_squeeze %dma_wait3A_142 : memref<1x16384xf32, #tpu.memory_space<vmem>> -> memref<16384xf32, #tpu.memory_space<vmem>>
        %dma_wait3A_144 = arith.constant 0 : i32
        %dma_wait3A_145 = tpu.memref_slice %arg5[%dma_wait3A_144] : memref<52428800xf32, #tpu.memory_space<hbm>> -> memref<16384xf32, #tpu.memory_space<hbm>>
        %dma_wait3A_146 = arith.constant 0 : i32
        %dma_wait3A_147 = tpu.memref_slice %arg5[%dma_wait3A_146] : memref<52428800xf32, #tpu.memory_space<hbm>> -> memref<16384xf32, #tpu.memory_space<hbm>>
        %dma_wait3A_148 = arith.constant 0 : i32
        %dma_wait3A_149 = tpu.memref_slice %arg8[%dma_wait3A_140, %dma_wait3A_148] : memref<2x16384xf32, #tpu.memory_space<vmem>> -> memref<1x16384xf32, #tpu.memory_space<vmem>>
        %dma_wait3A_150 = tpu.memref_squeeze %dma_wait3A_149 : memref<1x16384xf32, #tpu.memory_space<vmem>> -> memref<16384xf32, #tpu.memory_space<vmem>>
        tpu.wait_dma2 semaphore(%arg11 : memref<!tpu.dma_semaphore, #tpu.memory_space<semaphore_mem>>) src(%dma_wait3A_150 : memref<16384xf32, #tpu.memory_space<vmem>>) dst(%dma_wait3A_147 : memref<16384xf32, #tpu.memory_space<hbm>>)
      } else {
      }
      %add3A_75 = arith.constant 1 : i32
      %add3A_76 = arith.addi %scan3A_68, %add3A_75 : i32
      %lt3A = arith.constant 100 : i32
      %lt3A_77 = arith.cmpi slt, %add3A_76, %lt3A : i32
      %convert_element_type3A_78 = arith.extui %lt3A_77 : i1 to i32
      %cond3A_79 = arith.constant 0 : i32
      %cond3A_80 = arith.cmpi ne, %convert_element_type3A_78, %cond3A_79 : i32
      scf.if %cond3A_80 {
        %add3A_140 = arith.constant 1 : i32
        %add3A_141 = arith.addi %scan3A_68, %add3A_140 : i32
        %add3A_142 = arith.constant 1 : i32
        %add3A_143 = arith.addi %scan3A_68, %add3A_142 : i32
        %rem3A_144 = arith.constant 2 : i32
        %rem3A_145 = arith.remsi %add3A_143, %rem3A_144 : i32
        %mul3A_146 = arith.constant 256 : i32
        %mul3A_147 = arith.muli %add3A_141, %mul3A_146 : i32
        %add3A_148 = arith.addi %mul3A_2, %mul3A_147 : i32
        "tpu.region"() ({
          %run_scoped3A_181 = tpu.sem_alloc : memref<!tpu.dma_semaphore, #tpu.memory_space<semaphore_mem>>
          %dma_start3A_182 = arith.constant 0 : i32
          %dma_start3A_183 = tpu.memref_slice %arg6[%rem3A_145, %dma_start3A_182] : memref<2x256xi32, #tpu.memory_space<vmem>> -> memref<1x256xi32, #tpu.memory_space<vmem>>
          %dma_start3A_184 = tpu.memref_squeeze %dma_start3A_183 : memref<1x256xi32, #tpu.memory_space<vmem>> -> memref<256xi32, #tpu.memory_space<vmem>>
          %dma_start3A_185 = tpu.memref_slice %arg2[%add3A_148] : memref<819200xi32, #tpu.memory_space<hbm>> -> memref<256xi32, #tpu.memory_space<hbm>>
          %dma_start3A_186 = arith.constant 0 : i32
          %dma_start3A_187 = tpu.memref_slice %arg6[%rem3A_145, %dma_start3A_186] : memref<2x256xi32, #tpu.memory_space<vmem>> -> memref<1x256xi32, #tpu.memory_space<vmem>>
          %dma_start3A_188 = tpu.memref_squeeze %dma_start3A_187 : memref<1x256xi32, #tpu.memory_space<vmem>> -> memref<256xi32, #tpu.memory_space<vmem>>
          %dma_start3A_189 = tpu.memref_slice %arg2[%add3A_148] : memref<819200xi32, #tpu.memory_space<hbm>> -> memref<256xi32, #tpu.memory_space<hbm>>
          tpu.enqueue_dma source(%dma_start3A_189 : memref<256xi32, #tpu.memory_space<hbm>>) target(%dma_start3A_188 : memref<256xi32, #tpu.memory_space<vmem>>) target_semaphore(%run_scoped3A_181 : memref<!tpu.dma_semaphore, #tpu.memory_space<semaphore_mem>>)
          %dma_wait3A_190 = arith.constant 0 : i32
          %dma_wait3A_191 = tpu.memref_slice %arg6[%rem3A_145, %dma_wait3A_190] : memref<2x256xi32, #tpu.memory_space<vmem>> -> memref<1x256xi32, #tpu.memory_space<vmem>>
          %dma_wait3A_192 = tpu.memref_squeeze %dma_wait3A_191 : memref<1x256xi32, #tpu.memory_space<vmem>> -> memref<256xi32, #tpu.memory_space<vmem>>
          %dma_wait3A_193 = tpu.memref_slice %arg2[%add3A_148] : memref<819200xi32, #tpu.memory_space<hbm>> -> memref<256xi32, #tpu.memory_space<hbm>>
          %dma_wait3A_194 = arith.constant 0 : i32
          %dma_wait3A_195 = tpu.memref_slice %arg6[%rem3A_145, %dma_wait3A_194] : memref<2x256xi32, #tpu.memory_space<vmem>> -> memref<1x256xi32, #tpu.memory_space<vmem>>
          %dma_wait3A_196 = tpu.memref_squeeze %dma_wait3A_195 : memref<1x256xi32, #tpu.memory_space<vmem>> -> memref<256xi32, #tpu.memory_space<vmem>>
          %dma_wait3A_197 = tpu.memref_slice %arg2[%add3A_148] : memref<819200xi32, #tpu.memory_space<hbm>> -> memref<256xi32, #tpu.memory_space<hbm>>
          tpu.wait_dma2 semaphore(%run_scoped3A_181 : memref<!tpu.dma_semaphore, #tpu.memory_space<semaphore_mem>>) src(%dma_wait3A_197 : memref<256xi32, #tpu.memory_space<hbm>>) dst(%dma_wait3A_196 : memref<256xi32, #tpu.memory_space<vmem>>)
          tpu.yield
        }) : () -> ()
        %rem3A_149 = arith.constant 200 : i32
        %rem3A_150 = arith.remsi %add3A_148, %rem3A_149 : i32
        "tpu.region"() ({
          %run_scoped3A_181 = tpu.sem_alloc : memref<!tpu.dma_semaphore, #tpu.memory_space<semaphore_mem>>
          %dma_start3A_182 = arith.constant 0 : i32
          %dma_start3A_183 = arith.constant 0 : i32
          %dma_start3A_184 = tpu.memref_slice %arg7[%rem3A_145, %dma_start3A_182, %dma_start3A_183] : memref<2x256x128xf32, #tpu.memory_space<vmem>> -> memref<1x256x128xf32, #tpu.memory_space<vmem>>
          %dma_start3A_185 = tpu.memref_squeeze %dma_start3A_184 : memref<1x256x128xf32, #tpu.memory_space<vmem>> -> memref<256x128xf32, #tpu.memory_space<vmem>>
          %dma_start3A_186 = arith.constant 0 : i32
          %dma_start3A_187 = tpu.memref_slice %arg9[%rem3A_150, %dma_start3A_186] : memref<456x128xf32, #tpu.memory_space<vmem_shared>> -> memref<256x128xf32, #tpu.memory_space<vmem_shared>>
          %dma_start3A_188 = arith.constant 0 : i32
          %dma_start3A_189 = arith.constant 0 : i32
          %dma_start3A_190 = tpu.memref_slice %arg7[%rem3A_145, %dma_start3A_188, %dma_start3A_189] : memref<2x256x128xf32, #tpu.memory_space<vmem>> -> memref<1x256x128xf32, #tpu.memory_space<vmem>>
          %dma_start3A_191 = tpu.memref_squeeze %dma_start3A_190 : memref<1x256x128xf32, #tpu.memory_space<vmem>> -> memref<256x128xf32, #tpu.memory_space<vmem>>
          %dma_start3A_192 = arith.constant 0 : i32
          %dma_start3A_193 = tpu.memref_slice %arg9[%rem3A_150, %dma_start3A_192] : memref<456x128xf32, #tpu.memory_space<vmem_shared>> -> memref<256x128xf32, #tpu.memory_space<vmem_shared>>
          tpu.enqueue_dma source(%dma_start3A_193 : memref<256x128xf32, #tpu.memory_space<vmem_shared>>) target(%dma_start3A_191 : memref<256x128xf32, #tpu.memory_space<vmem>>) target_semaphore(%run_scoped3A_181 : memref<!tpu.dma_semaphore, #tpu.memory_space<semaphore_mem>>)
          %dma_wait3A_194 = arith.constant 0 : i32
          %dma_wait3A_195 = arith.constant 0 : i32
          %dma_wait3A_196 = tpu.memref_slice %arg7[%rem3A_145, %dma_wait3A_194, %dma_wait3A_195] : memref<2x256x128xf32, #tpu.memory_space<vmem>> -> memref<1x256x128xf32, #tpu.memory_space<vmem>>
          %dma_wait3A_197 = tpu.memref_squeeze %dma_wait3A_196 : memref<1x256x128xf32, #tpu.memory_space<vmem>> -> memref<256x128xf32, #tpu.memory_space<vmem>>
          %dma_wait3A_198 = arith.constant 0 : i32
          %dma_wait3A_199 = tpu.memref_slice %arg9[%rem3A_150, %dma_wait3A_198] : memref<456x128xf32, #tpu.memory_space<vmem_shared>> -> memref<256x128xf32, #tpu.memory_space<vmem_shared>>
          %dma_wait3A_200 = arith.constant 0 : i32
          %dma_wait3A_201 = arith.constant 0 : i32
          %dma_wait3A_202 = tpu.memref_slice %arg7[%rem3A_145, %dma_wait3A_200, %dma_wait3A_201] : memref<2x256x128xf32, #tpu.memory_space<vmem>> -> memref<1x256x128xf32, #tpu.memory_space<vmem>>
          %dma_wait3A_203 = tpu.memref_squeeze %dma_wait3A_202 : memref<1x256x128xf32, #tpu.memory_space<vmem>> -> memref<256x128xf32, #tpu.memory_space<vmem>>
          %dma_wait3A_204 = arith.constant 0 : i32
          %dma_wait3A_205 = tpu.memref_slice %arg9[%rem3A_150, %dma_wait3A_204] : memref<456x128xf32, #tpu.memory_space<vmem_shared>> -> memref<256x128xf32, #tpu.memory_space<vmem_shared>>
          tpu.wait_dma2 semaphore(%run_scoped3A_181 : memref<!tpu.dma_semaphore, #tpu.memory_space<semaphore_mem>>) src(%dma_wait3A_205 : memref<256x128xf32, #tpu.memory_space<vmem_shared>>) dst(%dma_wait3A_203 : memref<256x128xf32, #tpu.memory_space<vmem>>)
          tpu.yield
        }) : () -> ()
        %dma_start3A_151 = arith.constant 0 : i32
        %dma_start3A_152 = arith.constant 0 : i32
        %dma_start3A_153 = tpu.memref_slice %arg7[%rem3A_145, %dma_start3A_151, %dma_start3A_152] : memref<2x256x128xf32, #tpu.memory_space<vmem>> -> memref<1x256x128xf32, #tpu.memory_space<vmem>>
        %dma_start3A_154 = tpu.memref_squeeze %dma_start3A_153 : memref<1x256x128xf32, #tpu.memory_space<vmem>> -> memref<256x128xf32, #tpu.memory_space<vmem>>
        %dma_start3A_155 = arith.constant 0 : i32
        %dma_start3A_156 = arith.constant 0 : i32
        %dma_start3A_157 = tpu.memref_slice %dma_start3A_154[%dma_start3A_155, %dma_start3A_156] : memref<256x128xf32, #tpu.memory_space<vmem>> -> memref<128x128xf32, #tpu.memory_space<vmem>>
        %dma_start3A_158 = arith.constant 0 : i32
        %dma_start3A_159 = tpu.memref_slice %arg6[%rem3A_145, %dma_start3A_158] : memref<2x256xi32, #tpu.memory_space<vmem>> -> memref<1x256xi32, #tpu.memory_space<vmem>>
        %dma_start3A_160 = tpu.memref_squeeze %dma_start3A_159 : memref<1x256xi32, #tpu.memory_space<vmem>> -> memref<256xi32, #tpu.memory_space<vmem>>
        %dma_start3A_161 = arith.constant 0 : i32
        %dma_start3A_162 = tpu.memref_slice %dma_start3A_160[%dma_start3A_161] : memref<256xi32, #tpu.memory_space<vmem>> -> memref<128xi32, #tpu.memory_space<vmem>>
        %dma_start3A_163 = arith.constant 0 : i32
        %dma_start3A_164 = arith.constant 0 : i32
        %dma_start3A_165 = tpu.memref_slice %arg3[%dma_start3A_163, %dma_start3A_164] : memref<1000000x128xf32, #tpu.memory_space<hbm>> -> memref<1000000x128xf32, #tpu.memory_space<hbm>>
        tpu.enqueue_indirect_dma source(%dma_start3A_165 : memref<1000000x128xf32, #tpu.memory_space<hbm>>) target(%dma_start3A_157 : memref<128x128xf32, #tpu.memory_space<vmem>>) offsets(%dma_start3A_162 : memref<128xi32, #tpu.memory_space<vmem>>) semaphore(%arg10 : memref<!tpu.dma_semaphore, #tpu.memory_space<semaphore_mem>>) {add = true}
        %dma_start3A_166 = arith.constant 0 : i32
        %dma_start3A_167 = arith.constant 0 : i32
        %dma_start3A_168 = tpu.memref_slice %arg7[%rem3A_145, %dma_start3A_166, %dma_start3A_167] : memref<2x256x128xf32, #tpu.memory_space<vmem>> -> memref<1x256x128xf32, #tpu.memory_space<vmem>>
        %dma_start3A_169 = tpu.memref_squeeze %dma_start3A_168 : memref<1x256x128xf32, #tpu.memory_space<vmem>> -> memref<256x128xf32, #tpu.memory_space<vmem>>
        %dma_start3A_170 = arith.constant 128 : i32
        %dma_start3A_171 = arith.constant 0 : i32
        %dma_start3A_172 = tpu.memref_slice %dma_start3A_169[%dma_start3A_170, %dma_start3A_171] : memref<256x128xf32, #tpu.memory_space<vmem>> -> memref<128x128xf32, #tpu.memory_space<vmem>>
        %dma_start3A_173 = arith.constant 0 : i32
        %dma_start3A_174 = tpu.memref_slice %arg6[%rem3A_145, %dma_start3A_173] : memref<2x256xi32, #tpu.memory_space<vmem>> -> memref<1x256xi32, #tpu.memory_space<vmem>>
        %dma_start3A_175 = tpu.memref_squeeze %dma_start3A_174 : memref<1x256xi32, #tpu.memory_space<vmem>> -> memref<256xi32, #tpu.memory_space<vmem>>
        %dma_start3A_176 = arith.constant 128 : i32
        %dma_start3A_177 = tpu.memref_slice %dma_start3A_175[%dma_start3A_176] : memref<256xi32, #tpu.memory_space<vmem>> -> memref<128xi32, #tpu.memory_space<vmem>>
        %dma_start3A_178 = arith.constant 0 : i32
        %dma_start3A_179 = arith.constant 0 : i32
        %dma_start3A_180 = tpu.memref_slice %arg3[%dma_start3A_178, %dma_start3A_179] : memref<1000000x128xf32, #tpu.memory_space<hbm>> -> memref<1000000x128xf32, #tpu.memory_space<hbm>>
        tpu.enqueue_indirect_dma source(%dma_start3A_180 : memref<1000000x128xf32, #tpu.memory_space<hbm>>) target(%dma_start3A_172 : memref<128x128xf32, #tpu.memory_space<vmem>>) offsets(%dma_start3A_177 : memref<128xi32, #tpu.memory_space<vmem>>) semaphore(%arg10 : memref<!tpu.dma_semaphore, #tpu.memory_space<semaphore_mem>>) {add = true}
      } else {
      }
      %dma_wait3A_81 = arith.constant 0 : i32
      %dma_wait3A_82 = arith.constant 0 : i32
      %dma_wait3A_83 = tpu.memref_slice %arg7[%rem3A_70, %dma_wait3A_81, %dma_wait3A_82] : memref<2x256x128xf32, #tpu.memory_space<vmem>> -> memref<1x256x128xf32, #tpu.memory_space<vmem>>
      %dma_wait3A_84 = tpu.memref_squeeze %dma_wait3A_83 : memref<1x256x128xf32, #tpu.memory_space<vmem>> -> memref<256x128xf32, #tpu.memory_space<vmem>>
      %dma_wait3A_85 = arith.constant 0 : i32
      %dma_wait3A_86 = arith.constant 0 : i32
      %dma_wait3A_87 = tpu.memref_slice %dma_wait3A_84[%dma_wait3A_85, %dma_wait3A_86] : memref<256x128xf32, #tpu.memory_space<vmem>> -> memref<128x128xf32, #tpu.memory_space<vmem>>
      %dma_wait3A_88 = arith.constant 0 : i32
      %dma_wait3A_89 = arith.constant 0 : i32
      %dma_wait3A_90 = tpu.memref_slice %arg3[%dma_wait3A_88, %dma_wait3A_89] : memref<1000000x128xf32, #tpu.memory_space<hbm>> -> memref<128x128xf32, #tpu.memory_space<hbm>>
      %dma_wait3A_91 = arith.constant 0 : i32
      %dma_wait3A_92 = arith.constant 0 : i32
      %dma_wait3A_93 = tpu.memref_slice %arg7[%rem3A_70, %dma_wait3A_91, %dma_wait3A_92] : memref<2x256x128xf32, #tpu.memory_space<vmem>> -> memref<1x256x128xf32, #tpu.memory_space<vmem>>
      %dma_wait3A_94 = tpu.memref_squeeze %dma_wait3A_93 : memref<1x256x128xf32, #tpu.memory_space<vmem>> -> memref<256x128xf32, #tpu.memory_space<vmem>>
      %dma_wait3A_95 = arith.constant 0 : i32
      %dma_wait3A_96 = arith.constant 0 : i32
      %dma_wait3A_97 = tpu.memref_slice %dma_wait3A_94[%dma_wait3A_95, %dma_wait3A_96] : memref<256x128xf32, #tpu.memory_space<vmem>> -> memref<128x128xf32, #tpu.memory_space<vmem>>
      %dma_wait3A_98 = arith.constant 0 : i32
      %dma_wait3A_99 = arith.constant 0 : i32
      %dma_wait3A_100 = tpu.memref_slice %arg3[%dma_wait3A_98, %dma_wait3A_99] : memref<1000000x128xf32, #tpu.memory_space<hbm>> -> memref<128x128xf32, #tpu.memory_space<hbm>>
      tpu.wait_dma2 semaphore(%arg10 : memref<!tpu.dma_semaphore, #tpu.memory_space<semaphore_mem>>) src(%dma_wait3A_100 : memref<128x128xf32, #tpu.memory_space<hbm>>) dst(%dma_wait3A_97 : memref<128x128xf32, #tpu.memory_space<vmem>>)
      %dma_wait3A_101 = arith.constant 0 : i32
      %dma_wait3A_102 = arith.constant 0 : i32
      %dma_wait3A_103 = tpu.memref_slice %arg7[%rem3A_70, %dma_wait3A_101, %dma_wait3A_102] : memref<2x256x128xf32, #tpu.memory_space<vmem>> -> memref<1x256x128xf32, #tpu.memory_space<vmem>>
      %dma_wait3A_104 = tpu.memref_squeeze %dma_wait3A_103 : memref<1x256x128xf32, #tpu.memory_space<vmem>> -> memref<256x128xf32, #tpu.memory_space<vmem>>
      %dma_wait3A_105 = arith.constant 128 : i32
      %dma_wait3A_106 = arith.constant 0 : i32
      %dma_wait3A_107 = tpu.memref_slice %dma_wait3A_104[%dma_wait3A_105, %dma_wait3A_106] : memref<256x128xf32, #tpu.memory_space<vmem>> -> memref<128x128xf32, #tpu.memory_space<vmem>>
      %dma_wait3A_108 = arith.constant 0 : i32
      %dma_wait3A_109 = arith.constant 0 : i32
      %dma_wait3A_110 = tpu.memref_slice %arg3[%dma_wait3A_108, %dma_wait3A_109] : memref<1000000x128xf32, #tpu.memory_space<hbm>> -> memref<128x128xf32, #tpu.memory_space<hbm>>
      %dma_wait3A_111 = arith.constant 0 : i32
      %dma_wait3A_112 = arith.constant 0 : i32
      %dma_wait3A_113 = tpu.memref_slice %arg7[%rem3A_70, %dma_wait3A_111, %dma_wait3A_112] : memref<2x256x128xf32, #tpu.memory_space<vmem>> -> memref<1x256x128xf32, #tpu.memory_space<vmem>>
      %dma_wait3A_114 = tpu.memref_squeeze %dma_wait3A_113 : memref<1x256x128xf32, #tpu.memory_space<vmem>> -> memref<256x128xf32, #tpu.memory_space<vmem>>
      %dma_wait3A_115 = arith.constant 128 : i32
      %dma_wait3A_116 = arith.constant 0 : i32
      %dma_wait3A_117 = tpu.memref_slice %dma_wait3A_114[%dma_wait3A_115, %dma_wait3A_116] : memref<256x128xf32, #tpu.memory_space<vmem>> -> memref<128x128xf32, #tpu.memory_space<vmem>>
      %dma_wait3A_118 = arith.constant 0 : i32
      %dma_wait3A_119 = arith.constant 0 : i32
      %dma_wait3A_120 = tpu.memref_slice %arg3[%dma_wait3A_118, %dma_wait3A_119] : memref<1000000x128xf32, #tpu.memory_space<hbm>> -> memref<128x128xf32, #tpu.memory_space<hbm>>
      tpu.wait_dma2 semaphore(%arg10 : memref<!tpu.dma_semaphore, #tpu.memory_space<semaphore_mem>>) src(%dma_wait3A_120 : memref<128x128xf32, #tpu.memory_space<hbm>>) dst(%dma_wait3A_117 : memref<128x128xf32, #tpu.memory_space<vmem>>)
      %scan3A_121 = arith.constant 0 : i32
      %scan3A_122 = arith.constant 0 : i32
      %scan3A_123 = arith.constant 256 : i32
      %scan3A_124 = arith.addi %scan3A_122, %scan3A_123 : i32
      %scan3A_125 = arith.constant 1 : i32
      scf.for %scan3A_140 = %scan3A_122 to %scan3A_124 step %scan3A_125  : i32 {
        %get3A = arith.index_cast %rem3A_70 : i32 to index
        %get3A_141 = arith.index_cast %scan3A_140 : i32 to index
        %get3A_142 = arith.constant 0 : index
        %get3A_143 = tpu.vector_load %arg7[%get3A, %get3A_141, %get3A_142] {strides = array<i32>} : memref<2x256x128xf32, #tpu.memory_space<vmem>>, vector<1x1x16xf32>,
        %get3A_144 = vector.shape_cast %get3A_143 : vector<1x1x16xf32> to vector<16xf32>
        %mul3A_145 = arith.constant 64 : i32
        %mul3A_146 = arith.muli %scan3A_140, %mul3A_145 : i32
        %add3A_147 = arith.constant 0 : i32
        %add3A_148 = arith.addi %mul3A_146, %add3A_147 : i32
        %swap3A = arith.index_cast %rem3A_70 : i32 to index
        %swap3A_149 = arith.index_cast %add3A_148 : i32 to index
        %swap3A_150 = tpu.vector_load %arg8[%swap3A, %swap3A_149] {strides = array<i32>} : memref<2x16384xf32, #tpu.memory_space<vmem>>, vector<1x16xf32>,
        %swap3A_151 = vector.shape_cast %swap3A_150 : vector<1x16xf32> to vector<16xf32>
        %swap3A_152 = vector.shape_cast %get3A_144 : vector<16xf32> to vector<1x16xf32>
        tpu.vector_store %arg8[%swap3A, %swap3A_149], %swap3A_152 {strides = array<i32>} : memref<2x16384xf32, #tpu.memory_space<vmem>>, vector<1x16xf32>,
        %get3A_153 = arith.index_cast %rem3A_70 : i32 to index
        %get3A_154 = arith.index_cast %scan3A_140 : i32 to index
        %get3A_155 = arith.constant 16 : index
        %get3A_156 = tpu.vector_load %arg7[%get3A_153, %get3A_154, %get3A_155] {strides = array<i32>} : memref<2x256x128xf32, #tpu.memory_space<vmem>>, vector<1x1x16xf32>,
        %get3A_157 = vector.shape_cast %get3A_156 : vector<1x1x16xf32> to vector<16xf32>
        %mul3A_158 = arith.constant 64 : i32
        %mul3A_159 = arith.muli %scan3A_140, %mul3A_158 : i32
        %add3A_160 = arith.constant 16 : i32
        %add3A_161 = arith.addi %mul3A_159, %add3A_160 : i32
        %swap3A_162 = arith.index_cast %rem3A_70 : i32 to index
        %swap3A_163 = arith.index_cast %add3A_161 : i32 to index
        %swap3A_164 = tpu.vector_load %arg8[%swap3A_162, %swap3A_163] {strides = array<i32>} : memref<2x16384xf32, #tpu.memory_space<vmem>>, vector<1x16xf32>,
        %swap3A_165 = vector.shape_cast %swap3A_164 : vector<1x16xf32> to vector<16xf32>
        %swap3A_166 = vector.shape_cast %get3A_157 : vector<16xf32> to vector<1x16xf32>
        tpu.vector_store %arg8[%swap3A_162, %swap3A_163], %swap3A_166 {strides = array<i32>} : memref<2x16384xf32, #tpu.memory_space<vmem>>, vector<1x16xf32>,
        %get3A_167 = arith.index_cast %rem3A_70 : i32 to index
        %get3A_168 = arith.index_cast %scan3A_140 : i32 to index
        %get3A_169 = arith.constant 32 : index
        %get3A_170 = tpu.vector_load %arg7[%get3A_167, %get3A_168, %get3A_169] {strides = array<i32>} : memref<2x256x128xf32, #tpu.memory_space<vmem>>, vector<1x1x16xf32>,
        %get3A_171 = vector.shape_cast %get3A_170 : vector<1x1x16xf32> to vector<16xf32>
        %mul3A_172 = arith.constant 64 : i32
        %mul3A_173 = arith.muli %scan3A_140, %mul3A_172 : i32
        %add3A_174 = arith.constant 32 : i32
        %add3A_175 = arith.addi %mul3A_173, %add3A_174 : i32
        %swap3A_176 = arith.index_cast %rem3A_70 : i32 to index
        %swap3A_177 = arith.index_cast %add3A_175 : i32 to index
        %swap3A_178 = tpu.vector_load %arg8[%swap3A_176, %swap3A_177] {strides = array<i32>} : memref<2x16384xf32, #tpu.memory_space<vmem>>, vector<1x16xf32>,
        %swap3A_179 = vector.shape_cast %swap3A_178 : vector<1x16xf32> to vector<16xf32>
        %swap3A_180 = vector.shape_cast %get3A_171 : vector<16xf32> to vector<1x16xf32>
        tpu.vector_store %arg8[%swap3A_176, %swap3A_177], %swap3A_180 {strides = array<i32>} : memref<2x16384xf32, #tpu.memory_space<vmem>>, vector<1x16xf32>,
        %get3A_181 = arith.index_cast %rem3A_70 : i32 to index
        %get3A_182 = arith.index_cast %scan3A_140 : i32 to index
        %get3A_183 = arith.constant 48 : index
        %get3A_184 = tpu.vector_load %arg7[%get3A_181, %get3A_182, %get3A_183] {strides = array<i32>} : memref<2x256x128xf32, #tpu.memory_space<vmem>>, vector<1x1x16xf32>,
        %get3A_185 = vector.shape_cast %get3A_184 : vector<1x1x16xf32> to vector<16xf32>
        %mul3A_186 = arith.constant 64 : i32
        %mul3A_187 = arith.muli %scan3A_140, %mul3A_186 : i32
        %add3A_188 = arith.constant 48 : i32
        %add3A_189 = arith.addi %mul3A_187, %add3A_188 : i32
        %swap3A_190 = arith.index_cast %rem3A_70 : i32 to index
        %swap3A_191 = arith.index_cast %add3A_189 : i32 to index
        %swap3A_192 = tpu.vector_load %arg8[%swap3A_190, %swap3A_191] {strides = array<i32>} : memref<2x16384xf32, #tpu.memory_space<vmem>>, vector<1x16xf32>,
        %swap3A_193 = vector.shape_cast %swap3A_192 : vector<1x16xf32> to vector<16xf32>
        %swap3A_194 = vector.shape_cast %get3A_185 : vector<16xf32> to vector<1x16xf32>
        tpu.vector_store %arg8[%swap3A_190, %swap3A_191], %swap3A_194 {strides = array<i32>} : memref<2x16384xf32, #tpu.memory_space<vmem>>, vector<1x16xf32>,
      }
      %scan3A_126 = arith.constant 256 : i32
      %mul3A_127 = arith.constant 256 : i32
      %mul3A_128 = arith.muli %scan3A_68, %mul3A_127 : i32
      %add3A_129 = arith.addi %mul3A_2, %mul3A_128 : i32
      %mul3A_130 = arith.constant 64 : i32
      %mul3A_131 = arith.muli %add3A_129, %mul3A_130 : i32
      %multiple_of3A = tpu.assume_multiple %mul3A_131, 16384 : i32
      %dma_start3A_132 = arith.constant 0 : i32
      %dma_start3A_133 = tpu.memref_slice %arg8[%rem3A_70, %dma_start3A_132] : memref<2x16384xf32, #tpu.memory_space<vmem>> -> memref<1x16384xf32, #tpu.memory_space<vmem>>
      %dma_start3A_134 = tpu.memref_squeeze %dma_start3A_133 : memref<1x16384xf32, #tpu.memory_space<vmem>> -> memref<16384xf32, #tpu.memory_space<vmem>>
      %dma_start3A_135 = tpu.memref_slice %arg5[%multiple_of3A] : memref<52428800xf32, #tpu.memory_space<hbm>> -> memref<16384xf32, #tpu.memory_space<hbm>>
      %dma_start3A_136 = tpu.memref_slice %arg5[%multiple_of3A] : memref<52428800xf32, #tpu.memory_space<hbm>> -> memref<16384xf32, #tpu.memory_space<hbm>>
      %dma_start3A_137 = arith.constant 0 : i32
      %dma_start3A_138 = tpu.memref_slice %arg8[%rem3A_70, %dma_start3A_137] : memref<2x16384xf32, #tpu.memory_space<vmem>> -> memref<1x16384xf32, #tpu.memory_space<vmem>>
      %dma_start3A_139 = tpu.memref_squeeze %dma_start3A_138 : memref<1x16384xf32, #tpu.memory_space<vmem>> -> memref<16384xf32, #tpu.memory_space<vmem>>
      tpu.enqueue_dma source(%dma_start3A_139 : memref<16384xf32, #tpu.memory_space<vmem>>) target(%dma_start3A_136 : memref<16384xf32, #tpu.memory_space<hbm>>) target_semaphore(%arg11 : memref<!tpu.dma_semaphore, #tpu.memory_space<semaphore_mem>>)
    }
    %scan3A_46 = arith.constant 100 : i32
    %dma_wait3A = arith.constant 0 : i32
    %dma_wait3A_47 = arith.constant 0 : i32
    %dma_wait3A_48 = tpu.memref_slice %arg8[%dma_wait3A, %dma_wait3A_47] : memref<2x16384xf32, #tpu.memory_space<vmem>> -> memref<1x16384xf32, #tpu.memory_space<vmem>>
    %dma_wait3A_49 = tpu.memref_squeeze %dma_wait3A_48 : memref<1x16384xf32, #tpu.memory_space<vmem>> -> memref<16384xf32, #tpu.memory_space<vmem>>
    %dma_wait3A_50 = arith.constant 0 : i32
    %dma_wait3A_51 = tpu.memref_slice %arg5[%dma_wait3A_50] : memref<52428800xf32, #tpu.memory_space<hbm>> -> memref<16384xf32, #tpu.memory_space<hbm>>
    %dma_wait3A_52 = arith.constant 0 : i32
    %dma_wait3A_53 = tpu.memref_slice %arg5[%dma_wait3A_52] : memref<52428800xf32, #tpu.memory_space<hbm>> -> memref<16384xf32, #tpu.memory_space<hbm>>
    %dma_wait3A_54 = arith.constant 0 : i32
    %dma_wait3A_55 = tpu.memref_slice %arg8[%dma_wait3A, %dma_wait3A_54] : memref<2x16384xf32, #tpu.memory_space<vmem>> -> memref<1x16384xf32, #tpu.memory_space<vmem>>
    %dma_wait3A_56 = tpu.memref_squeeze %dma_wait3A_55 : memref<1x16384xf32, #tpu.memory_space<vmem>> -> memref<16384xf32, #tpu.memory_space<vmem>>
    tpu.wait_dma2 semaphore(%arg11 : memref<!tpu.dma_semaphore, #tpu.memory_space<semaphore_mem>>) src(%dma_wait3A_56 : memref<16384xf32, #tpu.memory_space<vmem>>) dst(%dma_wait3A_53 : memref<16384xf32, #tpu.memory_space<hbm>>)
    %dma_wait3A_57 = arith.constant 0 : i32
    %dma_wait3A_58 = arith.constant 0 : i32
    %dma_wait3A_59 = tpu.memref_slice %arg8[%dma_wait3A_57, %dma_wait3A_58] : memref<2x16384xf32, #tpu.memory_space<vmem>> -> memref<1x16384xf32, #tpu.memory_space<vmem>>
    %dma_wait3A_60 = tpu.memref_squeeze %dma_wait3A_59 : memref<1x16384xf32, #tpu.memory_space<vmem>> -> memref<16384xf32, #tpu.memory_space<vmem>>
    %dma_wait3A_61 = arith.constant 0 : i32
    %dma_wait3A_62 = tpu.memref_slice %arg5[%dma_wait3A_61] : memref<52428800xf32, #tpu.memory_space<hbm>> -> memref<16384xf32, #tpu.memory_space<hbm>>
    %dma_wait3A_63 = arith.constant 0 : i32
    %dma_wait3A_64 = tpu.memref_slice %arg5[%dma_wait3A_63] : memref<52428800xf32, #tpu.memory_space<hbm>> -> memref<16384xf32, #tpu.memory_space<hbm>>
    %dma_wait3A_65 = arith.constant 0 : i32
    %dma_wait3A_66 = tpu.memref_slice %arg8[%dma_wait3A_57, %dma_wait3A_65] : memref<2x16384xf32, #tpu.memory_space<vmem>> -> memref<1x16384xf32, #tpu.memory_space<vmem>>
    %dma_wait3A_67 = tpu.memref_squeeze %dma_wait3A_66 : memref<1x16384xf32, #tpu.memory_space<vmem>> -> memref<16384xf32, #tpu.memory_space<vmem>>
    tpu.wait_dma2 semaphore(%arg11 : memref<!tpu.dma_semaphore, #tpu.memory_space<semaphore_mem>>) src(%dma_wait3A_67 : memref<16384xf32, #tpu.memory_space<vmem>>) dst(%dma_wait3A_64 : memref<16384xf32, #tpu.memory_space<hbm>>)
    return
  }
}

module attributes {stable_mosaic.version = 14 : i64} {
  func.func @body(%arg0: memref<456x128xf32, #tpu.memory_space<vmem>>) attributes {dimension_semantics = [], scalar_prefetch = 0 : i64, scratch_operands = 0 : i64, tpu.core_type = #tpu.core_type<tc>} {
    %iota3A = tpu.iota {dimensions = array<i32: 0>} : vector<456x128xi32>
    %iota3A_0 = tpu.iota {dimensions = array<i32: 1>} : vector<456x128xi32>
    %jit3A = arith.constant 200 : i32
    %eq3A = arith.constant 0 : i32
    %eq3A_1 = arith.cmpi eq, %jit3A, %eq3A : i32
    %jit3A_2 = arith.constant 1 : i32
    %select_n3A = arith.select %eq3A_1, %jit3A_2, %jit3A : i32
    %rem3A = vector.broadcast %select_n3A : i32 to vector<456x128xi32>
    %rem3A_3 = arith.remsi %iota3A, %rem3A : vector<456x128xi32>
    %ne3A = arith.constant 0 : i32
    %ne3A_4 = vector.broadcast %ne3A : i32 to vector<456x128xi32>
    %ne3A_5 = arith.cmpi ne, %rem3A_3, %ne3A_4 : vector<456x128xi32>
    %lt3A = arith.constant 0 : i32
    %lt3A_6 = vector.broadcast %lt3A : i32 to vector<456x128xi32>
    %lt3A_7 = arith.cmpi slt, %rem3A_3, %lt3A_6 : vector<456x128xi32>
    %lt3A_8 = arith.constant 0 : i32
    %lt3A_9 = arith.cmpi slt, %select_n3A, %lt3A_8 : i32
    %ne3A_10 = vector.broadcast %lt3A_9 : i1 to vector<456x128xi1>
    %ne3A_11 = vector.broadcast %ne3A_10 : vector<456x128xi1> to vector<456x128xi1>
    %ne3A_12 = arith.xori %lt3A_7, %ne3A_11 : vector<456x128xi1>
    %and3A = arith.andi %ne3A_12, %ne3A_5 : vector<456x128xi1>
    %add3A = vector.broadcast %select_n3A : i32 to vector<456x128xi32>
    %add3A_13 = arith.addi %rem3A_3, %add3A : vector<456x128xi32>
    %select_n3A_14 = arith.select %and3A, %add3A_13, %rem3A_3 : vector<456x128xi1>, vector<456x128xi32>
    %convert_element_type3A = arith.sitofp %select_n3A_14 : vector<456x128xi32> to vector<456x128xf32>
    %add3A_15 = arith.constant 1.000000e+00 : f32
    %add3A_16 = vector.broadcast %add3A_15 : f32 to vector<456x128xf32>
    %add3A_17 = arith.addf %convert_element_type3A, %add3A_16 : vector<456x128xf32>
    %shift_right_arithmetic3A = arith.constant 1 : i32
    %shift_right_arithmetic3A_18 = vector.broadcast %shift_right_arithmetic3A : i32 to vector<456x128xi32>
    %shift_right_arithmetic3A_19 = arith.shrsi %iota3A_0, %shift_right_arithmetic3A_18 : vector<456x128xi32>
    %mul3A = arith.constant 2 : i32
    %mul3A_20 = vector.broadcast %mul3A : i32 to vector<456x128xi32>
    %mul3A_21 = arith.muli %mul3A_20, %shift_right_arithmetic3A_19 : vector<456x128xi32>
    %convert_element_type3A_22 = arith.sitofp %mul3A_21 : vector<456x128xi32> to vector<456x128xf32>
    %mul3A_23 = arith.constant 0.14391157 : f32
    %mul3A_24 = vector.broadcast %mul3A_23 : f32 to vector<456x128xf32>
    %mul3A_25 = arith.mulf %convert_element_type3A_22, %mul3A_24 : vector<456x128xf32>
    %neg3A = arith.constant 0.000000e+00 : f32
    %neg3A_26 = vector.broadcast %neg3A : f32 to vector<456x128xf32>
    %neg3A_27 = arith.subf %neg3A_26, %mul3A_25 : vector<456x128xf32>
    %exp3A = math.exp %neg3A_27 : vector<456x128xf32>
    %mul3A_28 = arith.mulf %add3A_17, %exp3A : vector<456x128xf32>
    %jit3A_29 = arith.constant 2 : i32
    %eq3A_30 = arith.constant 0 : i32
    %eq3A_31 = arith.cmpi eq, %jit3A_29, %eq3A_30 : i32
    %jit3A_32 = arith.constant 1 : i32
    %select_n3A_33 = arith.select %eq3A_31, %jit3A_32, %jit3A_29 : i32
    %rem3A_34 = vector.broadcast %select_n3A_33 : i32 to vector<456x128xi32>
    %rem3A_35 = arith.remsi %iota3A_0, %rem3A_34 : vector<456x128xi32>
    %ne3A_36 = arith.constant 0 : i32
    %ne3A_37 = vector.broadcast %ne3A_36 : i32 to vector<456x128xi32>
    %ne3A_38 = arith.cmpi ne, %rem3A_35, %ne3A_37 : vector<456x128xi32>
    %lt3A_39 = arith.constant 0 : i32
    %lt3A_40 = vector.broadcast %lt3A_39 : i32 to vector<456x128xi32>
    %lt3A_41 = arith.cmpi slt, %rem3A_35, %lt3A_40 : vector<456x128xi32>
    %lt3A_42 = arith.constant 0 : i32
    %lt3A_43 = arith.cmpi slt, %select_n3A_33, %lt3A_42 : i32
    %ne3A_44 = vector.broadcast %lt3A_43 : i1 to vector<456x128xi1>
    %ne3A_45 = vector.broadcast %ne3A_44 : vector<456x128xi1> to vector<456x128xi1>
    %ne3A_46 = arith.xori %lt3A_41, %ne3A_45 : vector<456x128xi1>
    %and3A_47 = arith.andi %ne3A_46, %ne3A_38 : vector<456x128xi1>
    %add3A_48 = vector.broadcast %select_n3A_33 : i32 to vector<456x128xi32>
    %add3A_49 = arith.addi %rem3A_35, %add3A_48 : vector<456x128xi32>
    %select_n3A_50 = arith.select %and3A_47, %add3A_49, %rem3A_35 : vector<456x128xi1>, vector<456x128xi32>
    %eq3A_51 = arith.constant 0 : i32
    %eq3A_52 = vector.broadcast %eq3A_51 : i32 to vector<456x128xi32>
    %eq3A_53 = arith.cmpi eq, %select_n3A_50, %eq3A_52 : vector<456x128xi32>
    %cos3A = math.cos %mul3A_28 : vector<456x128xf32>
    %sin3A = math.sin %mul3A_28 : vector<456x128xf32>
    %select_n3A_54 = arith.select %eq3A_53, %cos3A, %sin3A : vector<456x128xi1>, vector<456x128xf32>
    %lt3A_55 = arith.constant 64 : i32
    %lt3A_56 = vector.broadcast %lt3A_55 : i32 to vector<456x128xi32>
    %lt3A_57 = arith.cmpi slt, %iota3A_0, %lt3A_56 : vector<456x128xi32>
    %jit3A_58 = arith.constant 0.000000e+00 : f32
    %broadcast_in_dim3A = vector.broadcast %jit3A_58 : f32 to vector<456x128xf32>
    %select_n3A_59 = arith.select %lt3A_57, %select_n3A_54, %broadcast_in_dim3A : vector<456x128xi1>, vector<456x128xf32>
    %swap3A = arith.constant 0 : index
    %swap3A_60 = arith.constant 0 : index
    %swap3A_61 = vector.load %arg0[%swap3A, %swap3A_60] : memref<456x128xf32, #tpu.memory_space<vmem>>, vector<456x128xf32>
    tpu.vector_store %arg0[%swap3A, %swap3A_60], %select_n3A_59 {strides = array<i32>} : memref<456x128xf32, #tpu.memory_space<vmem>>, vector<456x128xf32>,
    return
  }
}

</mosaic_0001>

<sc_bundles>
// kernel: kernel.4.cloned.1.call-start
scs
__scs_entry_jumppad:
0x0: {  	(pc) =	sbr.rel $0x88, $3  }
0x1: {  	(tag) =	ssettag $0x0;
	lr =	simm.s32 $0x1  }
0x2: {  	[smem:$0x3F9F] =	sst lr;
	_ =	strace $0xD0000000  }
0x3: {  	_ = 	snop  }
0x4: {  	_ = 	snop  }
0x5: {  	_ = 	snop  }
0x6: {  	_ = 	snop  }
0x7: {  	_ = 	snop  }
__scs_overlays_trampoline_lowered:
0x8: {  	[smem:$0x3FAE] =	sst s0  }
0x9: {  	[smem:$0x3FAF] =	sst s1  }
0xa: {  	[smem:$0x3FB0] =	sst s2  }
0xb: {  	[smem:$0x3FB1] =	sst s3  }
0xc: {  	[smem:$0x3FB2] =	sst s4  }
0xd: {  	[smem:$0x3FB3] =	sst s5  }
0xe: {  	[smem:$0x3FB4] =	sst s6  }
0xf: {  	[smem:$0x3FB5] =	sst s7  }
0x10: {  	[smem:$0x3FB6] =	sst s8  }
0x11: {  	[smem:$0x3FB7] =	sst s9;
	s0 =	simm.s32 @!p0 $0x0  }
0x12: {  	s1 =	sld [smem:$0x3F9D];
	s0 =	simm.s32 @p0 $0x1  }
0x13: {  	[smem:$0x3FB8] =	sst s0;
	s0 =	simm.s32 @!p1 $0x0  }
0x14: {  	s2 =	sld [smem:$0x3F9C];
	s0 =	simm.s32 @p1 $0x1  }
0x15: {  	[smem:$0x3FB9] =	sst s0;
	s0 =	simm.s32 @!p2 $0x0  }
0x16: {  	s3 =	sld [smem:$0x3FDB];
	s0 =	simm.s32 @p2 $0x1  }
0x17: {  	s4 =	simm.s32 $0x1BF5;
	[smem:$0x3FBB] =	sst s0  }
0x18: {  	s0 =	sld [smem:$0x3F9E];
	_ =	swait.ge [sflag:s4], $0x0  }
0x19: {  	s7 =	sld [smem:$0x3F9F]  }
0x1a: {  	s8 =	sadd.s32 $0xFFFFE003, lr  }
0x1b: {  	s9 =	sadd.s32 $0xFFFFFEF7, lr;
	s5 =	simm.s32 $0xFFFFFFFF;
	p2 =	slt.u32 s8, $0xFFFFF086  }
0x1c: {  	p1 =	slt.u32 s9, $0xF7A;
	s5 =	simm.s32 @!p2 $0x0  }
0x1d: {  	s5 =	simm.s32 @p1 $0x1;
	p0 =	seq.s32 s7, s2  }
0x1e: {  	s7 =	smul.u32 @!p0 $0xF7A, s2;
	p2 =	seq.s32 @!p0 s5, $0x0  }
0x1f: {  	s9 =	smul.u32 $0xF7A, s1;
	s8 =	simm.s32 @!p0 $0x1BF5;
	p2 =	por !p2, p0  }
0x20: {  	[sflag:s8] =	ssyncset.s32 @!p0 $0xFFFFF086;
	s6 =	sadd.s32 @!p0 s3, s7;
	s7 =	simm.s32 @!p0 $0x108  }
0x21: {  	s3 =	sadd.s32 s3, s9;
	s6 =	sadd.s32 @!p0 $0x88, s6;
	s7 =	simm.s32 @p2 $0x1082  }
0x22: {  	[simem:s7], [sflag:s8] =	dma.local @!p0 [hbm:s6], $0xF7A  }
0x23: {  	s9 =	sor.u32 $0xD0000000, s2;
	s6 =	simm.s32 $0x108;
	_ =	swait.ge @!p0 [sflag:s8], $0x0  }
0x24: {  	s3 =	sadd.s32 $0x88, s3;
	s6 =	simm.s32 @!p1 $0x1082;
	[sflag:s4] =	ssyncset.s32 $0xFFFFF086  }
0x25: {  	[simem:s6], [sflag:s4] =	dma.local [hbm:s3], $0xF7A  }
0x26: {  	[smem:$0x3F9F] =	sst s1;
	(tag) =	ssettag s2;
	_ =	strace s9  }
0x27: {  	s1 =	sld [smem:$0x3FAF]  }
0x28: {  	s2 =	sld [smem:$0x3FB0]  }
0x29: {  	s4 =	sld [smem:$0x3FB2]  }
0x2a: {  	p0 =	seq.s32 s5, $0x0;
	s5 =	sld [smem:$0x3FB3]  }
0x2b: {  	s6 =	sld [smem:$0x3FB4]  }
0x2c: {  	s7 =	sld [smem:$0x3FB5]  }
0x2d: {  	s3 =	simm.s32 $0x108;
	s8 =	sld [smem:$0x3FB6]  }
0x2e: {  	s3 =	simm.s32 @!p0 $0x1082;
	s9 =	sld [smem:$0x3FB7]  }
0x2f: {  	lr =	sadd.s32 s0, s3;
	s0 =	sld [smem:$0x3FAE]  }
0x30: {  	s3 =	sld [smem:$0x3FB1]  }
0x31: {  	[smem:$0x3FBA] =	sst s10  }
0x32: {  	s10 =	sld [smem:$0x3FB8];
	_ =	sdelay $0x3  }
0x33: {  	p0 =	seq.s32 s10, $0x1;
	s10 =	sld [smem:$0x3FBA];
	_ =	sdelay $0x3  }
0x34: {  	[smem:$0x3FBA] =	sst s10  }
0x35: {  	s10 =	sld [smem:$0x3FB9];
	_ =	sdelay $0x3  }
0x36: {  	p1 =	seq.s32 s10, $0x1;
	s10 =	sld [smem:$0x3FBA];
	_ =	sdelay $0x3  }
0x37: {  	[smem:$0x3FBA] =	sst s10  }
0x38: {  	s10 =	sld [smem:$0x3FBB]  }
0x39: {  	_ = 	snop;
	(pc) =	sbr.ind lr, $3  }
0x3a: {  	_ = 	snop  }
0x3b: {  	_ = 	snop  }
0x3c: {  	p2 =	seq.s32 s10, $0x1;
	s10 =	sld [smem:$0x3FBA]  }
0x3d: {  	_ =	shalt  }
0x3e: {  	_ =	shalt  }
0x3f: {  	_ =	shalt  }
0x40: {  	_ =	shalt  }
0x41: {  	_ =	shalt  }
0x42: {  	_ =	shalt  }
0x43: {  	_ =	shalt  }
0x44: {  	_ =	shalt  }
0x45: {  	_ =	shalt  }
0x46: {  	_ =	shalt  }
0x47: {  	_ =	shalt  }
0x48: {  	_ =	shalt  }
0x49: {  	_ =	shalt  }
0x4a: {  	_ =	shalt  }
0x4b: {  	_ =	shalt  }
0x4c: {  	_ =	shalt  }
0x4d: {  	_ =	shalt  }
0x4e: {  	_ =	shalt  }
0x4f: {  	_ =	shalt  }
0x50: {  	_ =	shalt  }
0x51: {  	_ =	shalt  }
0x52: {  	_ =	shalt  }
0x53: {  	_ =	shalt  }
0x54: {  	_ =	shalt  }
0x55: {  	_ =	shalt  }
0x56: {  	_ =	shalt  }
0x57: {  	_ =	shalt  }
0x58: {  	_ =	shalt  }
0x59: {  	_ =	shalt  }
0x5a: {  	_ =	shalt  }
0x5b: {  	_ =	shalt  }
0x5c: {  	_ =	shalt  }
0x5d: {  	_ =	shalt  }
0x5e: {  	_ =	shalt  }
0x5f: {  	_ =	shalt  }
0x60: {  	_ =	shalt  }
0x61: {  	_ =	shalt  }
0x62: {  	_ =	shalt  }
0x63: {  	_ =	shalt  }
0x64: {  	_ =	shalt  }
0x65: {  	_ =	shalt  }
0x66: {  	_ =	shalt  }
0x67: {  	_ =	shalt  }
0x68: {  	_ =	shalt  }
0x69: {  	_ =	shalt  }
0x6a: {  	_ =	shalt  }
0x6b: {  	_ =	shalt  }
0x6c: {  	_ =	shalt  }
0x6d: {  	_ =	shalt  }
0x6e: {  	_ =	shalt  }
0x6f: {  	_ =	shalt  }
0x70: {  	_ =	shalt  }
0x71: {  	_ =	shalt  }
0x72: {  	_ =	shalt  }
0x73: {  	_ =	shalt  }
0x74: {  	_ =	shalt  }
0x75: {  	_ =	shalt  }
0x76: {  	_ =	shalt  }
0x77: {  	_ =	shalt  }
0x78: {  	_ =	shalt  }
0x79: {  	_ =	shalt  }
0x7a: {  	_ =	shalt  }
0x7b: {  	_ =	shalt  }
0x7c: {  	_ =	shalt  }
0x7d: {  	_ =	shalt  }
0x7e: {  	_ =	shalt  }
0x7f: {  	_ =	shalt  }
0x80: {  	_ =	shalt  }
0x81: {  	_ =	shalt  }
0x82: {  	_ =	shalt  }
0x83: {  	_ =	shalt  }
0x84: {  	_ =	shalt  }
0x85: {  	_ =	shalt  }
0x86: {  	_ =	shalt  }
0x87: {  	_ =	shalt  }
.Lfunc_end0:
.L_simem_size_0:
called_computation.1_lowered:
.L_overlay_start_0:
0x88: {  	s2 =	sld [smem:$0x3FD9]  }
0x89: {  	s3 =	sld [smem:$0x3FFE];
	_ =	sdelay $0x1  }
0x8a: {  	s1 =	srdreg.scid  }
0x8b: {  	s0 =	sand.u32 $0x1, s1  }
0x8c: {  	s17 =	sshll.u32 s0, $0xA;
	s2 =	sadd.s32 s3, s2  }
0x8d: {  	s2 =	sadd.s32 s2, s17  }
0x8e: {  	[smem:$0x3FC6] =	sst s2  }
0x8f: {  	_ = 	snop  }
0x90: {  	s2 =	sld [smem:$0x3FD0];
	(tm) =	ssettm $0x1  }
0x91: {  	s18 =	sld [smem:$0x3FFB];
	_ =	sdelay $0x3  }
0x92: {  	_ =	strace s18  }
0x93: {  	s3 =	sld [smem:$0x3FFC];
	_ =	sdelay $0x3  }
0x94: {  	_ =	strace s3  }
0x95: {  	s3 =	sld [smem:$0x3FFD];
	_ =	sdelay $0x3  }
0x96: {  	_ =	strace s3  }
0x97: {  	_ =	strace $0x8FFFFFFF  }
0x98: {  	s19 =	sld [smem:$0x3FDB];
	_ =	sdelay $0x1  }
0x99: {  	s4 =	simm.s32 $_scs_section_size  }
0x9a: {  	s5 =	simm.s32 $_size__tile_overlayer_lowered;
	s6 =	simm.s32 $_tile_overlayer_lowered  }
0x9b: {  	s22 =	simm.s32 $0x1BFF;
	s21 =	sshll.u32 s6, $0x1;
	s3 =	sadd.s32 s4, s19  }
0x9c: {  	s7 =	simm.s32 $0x0;
	s20 =	sshll.u32 s5, $0x1;
	s5 =	sadd.s32 s21, s3  }
0x9d: {  	[timem:s7], [sflag:s22] =	dma.local [hbm:s5], s20  }
0x9e: {  	_ =	swait.ge [sflag:s22], s20  }
0x9f: {  	s4 =	ssub.s32 $0x0, s20;
	[sflag:s22] =	ssyncset.done $0x0  }
0xa0: {  	[sflag:s22] =	ssyncadd.s32 s4;
	_ =	sdelay $0x1  }
0xa1: {  	s23 =	simm.s32 $0x1B8B  }
0xa2: {  	_ =	swait.ge [sflag:s23], $0x1  }
0xa3: {  	[sflag:s23] =	ssyncset.done $0x0  }
0xa4: {  	s25 =	simm.s32 $0x1B8E;
	s24 =	sld [smem:$0x3FFE];
	[sflag:s23] =	ssyncadd.s32 $0xFFFFFFFF  }
0xa5: {  	s26 =	simm.s32 $execute0_lowered;
	[smem:$0x3FD2] =	sst s25  }
0xa6: {  	s5 =	sshll.u32 s26, $0x1;
	_ =	strace $0x80000046;
	[dreg:$0x1] =	wrdreg $0xFFFFFFFF  }
0xa7: {  	s28 =	simm.s32 $_size_execute0_lowered;
	s3 =	sadd.s32 s3, s5;
	[dreg:$0x0] =	wrdreg $0x0  }
0xa8: {  	s5 =	sshll.u32 s28, $0x1;
	[dreg:$0x2] =	wrdreg s3  }
0xa9: {  	[dreg:$0x3] =	wrdreg s5  }
0xaa: {  	[dreg:$0x4] =	wrdreg $0xC0  }
0xab: {  	_ =	task [dreg:s7], $0x5FFFF  }
0xac: {  	[dreg:$0x1] =	wrdreg $0xFFFFFFFF  }
0xad: {  	[dreg:$0x0] =	wrdreg $0x60  }
0xae: {  	[dreg:$0x2] =	wrdreg s24  }
0xaf: {  	[dreg:$0x3] =	wrdreg s2  }
0xb0: {  	[dreg:$0x4] =	wrdreg $0x182000  }
0xb1: {  	[dreg:$0x5] =	wrdreg $0x9  }
0xb2: {  	_ =	task.clear_ibuf [dreg:s7], $0x6FFFF;
	_ =	strace $0x90000046  }
0xb3: {  	s29 =	simm.s32 $0x9;
	_ =	strace $0x80000048  }
0xb4: {  	_ =	swait.ge [sflag:s29], $0x1  }
0xb5: {  	[sflag:s29] =	ssyncadd.s32 $0xFFFFFFFF  }
0xb6: {  	_ =	strace $0x90000048  }
0xb7: {  	_ =	sfence  }
0xb8: {  	s30 =	sld [smem:$0x0];
	_ =	sdelay $0x2  }
0xb9: {  	s31 =	sshll.u32 s1, $0xD;
	s1 =	sshrl.u32 s1, $0x2  }
0xba: {  	s3 =	sand.u32 $0x4000, s31;
	s1 =	sadd.s32 s1, s30  }
0xbb: {  	s0 =	sor.u32 s3, s0;
	s1 =	sshll.u32 s1, $0x11  }
0xbc: {  	s0 =	sor.u32 s1, s0  }
0xbd: {  	s0 =	sadd.s32 $0x8F2B, s0  }
0xbe: {  	[sflag:s0] =	ssyncadd.remote.s32 $0x1  }
0xbf: {  	_ =	sfence.sel $0xFFFF  }
0xc0: {  	[dreg:$0x0] =	wrdreg $0xFFFFFFFF;
	(pc) =	sbr.abs _section_cstart, $3  }
0xc1: {  	[dreg:$0x1] =	wrdreg $0xFFFFFFFF  }
0xc2: {  	_ =	task.clear_ibuf [dreg:s7], $0x2FFFF;
	_ =	strace $0x9FFFFFFF  }
0xc3: {  	(tm) =	ssettm $0x7FFFFFFF  }
tec
execute0_lowered:
.L_overlay_start_1:
0x0: {  	(tag) =	ssettag $0x1  }
0x1: {  	s7 =	rddreg [dreg:$0x0]  }
0x2: {  	s1 =	rddreg [dreg:$0x1]  }
0x3: {  	s2 =	rddreg [dreg:$0x2]  }
0x4: {  	s0 =	rddreg [dreg:$0x3]  }
0x5: {  	s4 =	srdreg.scid;
	s9 =	stileid.u32;
	s3 =	simm.s32 $0x0  }
0x6: {  	s13 =	simm.s32 $0x100;
	s14 =	simm.s32 $0x3;
	s15 =	simm.s32 $0x200  }
0x7: {  	s16 =	simm.s32 $0x80;
	s17 =	simm.s32 $0x4200;
	s18 =	simm.s32 $0x1  }
0x8: {  	s19 =	simm.s32 $0x2;
	s8 =	sand.u32 $0x1, s4;
	s31 =	sshll.u32 s9, $0x1  }
0x9: {  	s20 =	simm.s32 $0x0;
	s5 =	sadd.s32 $0xF44E00, s7;
	s10 =	sor.u32 s8, s31  }
0xa: {  	[smem:$0x7FF] =	sst s3;
	s6 =	sadd.s32 $0xF5DE00, s7;
	s4 =	smul.u32 $0x6400, s10  }
0xb: {  	s7 =	sadd.s32 $0xC00, s7;
	p0 =	sne.s32 s9, $0x0;
	s8 =	ssub.s32 $0x2, s8  }
0xc: {  	_ =	strace $0x80000047;
	s11 =	sshrl.u32 s8, $0x1;
	s12 =	sshrl.u32 s4, $0x3  }
0xd: {  	s9 =	smul.u32 $0x190000, s10;
	s11 =	ssub.s32 s8, s11;
	s8 =	sadd.s32 s5, s12  }
0xe: {  	s10 =	smax.u32 s11, $0x1;
	s11 =	sshrl.u32 @!p0 s2, $0x3;
	s12 =	sadd.s32 $0x10, s8  }
.LBB2_1:
0xf: {  	s21 =	simm.s32 @!p0 $0x1C03  }
0x10: {  	[spmem:s11], [sflag:s21] =	dma.local @!p0 [hbm:s7], $0x1C80  }
0x11: {  	s21 =	simm.s32 @!p0 $0x3  }
0x12: {  	_ =	swait.ge @!p0 [sflag:s21], $0x1C80  }
0x13: {  	[sflag:s21] =	ssyncset.done @!p0 $0x0  }
0x14: {  	[sflag:s21] =	ssyncadd.s32 @!p0 $0xFFFFE380  }
0x15: {  	[bflag:$0x0] =	sbarrier.arrive $0xFFFF  }
0x16: {  	[tilespmem:s3], [sflag:$0x3] =	stream.linear.gather [hbm4b:s8+s3], $0x80, $0x38;
	[tilespmem:$0x19040] =	vst v63  }
0x17: {  	_ = 	snop  }
0x18: {  	[tilespmem:s13], [sflag:$0x3] =	stream.linear.gather [hbm4b:s12+s3], $0x80, $0x38;
	[tilespmem:$0x19040] =	vst v63  }
0x19: {  	_ =	swait.ge [sflag:s14], $0x100  }
0x1a: {  	[sflag:s14] =	ssyncset.done $0x0  }
0x1b: {  	[sflag:s14] =	ssyncadd.s32 $0xFFFFFF00  }
0x1c: {  	[tilespmem:s15], [sflag:$0x3] =	stream.linear.gather [spmem:s2], $0x8000, $0x38;
	[tilespmem:$0x19040] =	vst v63  }
0x1d: {  	_ =	swait.ge [sflag:s14], $0x8000  }
0x1e: {  	[sflag:s14] =	ssyncset.done $0x0  }
0x1f: {  	[sflag:s14] =	ssyncadd.s32 $0xFFFF8000  }
0x20: {  	[tilespmem:s15], [sflag:$0x1] =	stream.indirect.gather.add.f32 [hbm:s6], $0x80, s3, s16, $0xb8;
	[tilespmem:$0x19040] =	vst v63  }
0x21: {  	s22 =	simm.s32 $0x0  }
0x22: {  	[tilespmem:s17], [sflag:$0x1] =	stream.indirect.gather.add.f32 [hbm:s6], $0x80, s13, s16, $0xb8;
	[tilespmem:$0x19040] =	vst v63  }
.LBB2_3:
0x23: {  	p1 =	slt.u32 s22, $0x2  }
0x24: {  	s21 =	simm.s32 @!p1 $0x2  }
0x25: {  	_ =	swait.ge @!p1 [sflag:s21], $0x4000  }
0x26: {  	p2 =	seq.s32 @!p1 s22, $0x63;
	[sflag:s21] =	ssyncset.done @!p1 $0x0  }
0x27: {  	p2 =	por p1, !p2;
	[sflag:s21] =	ssyncadd.s32 @!p1 $0xFFFFC000;
	s21 =	simm.s32 @!p1 $0x64  }
0x28: {  	s21 =	sadd.s32 @p2 $0x1, s22  }
0x29: {  	s23 =	sshll.u32 @p2 s21, $0x8  }
0x2a: {  	s23 =	sadd.s32 @p2 s4, s23  }
0x2b: {  	s24 =	sshll.u32 @p2 s21, $0x7;
	s25 =	sshrl.u32 @p2 s23, $0x3  }
0x2c: {  	s24 =	sand.u32 @p2 $0x80, s24;
	s26 =	smulhi.u32 @p2 $0x51EB851F, s23;
	s25 =	sadd.s32 @p2 s5, s25  }
0x2d: {  	[tilespmem:s24], [sflag:$0x3] =	stream.linear.gather @p2 [hbm4b:s25+s3], $0x80, $0x38;
	[tilespmem:$0x19040] =	vst v63  }
0x2e: {  	s26 =	sshrl.u32 @p2 s26, $0x6  }
0x2f: {  	s28 =	sor.u32 @p2 $0x100, s24;
	s25 =	sadd.s32 @p2 $0x10, s25;
	s26 =	smul.u32 @p2 $0xC8, s26  }
0x30: {  	[tilespmem:s28], [sflag:$0x3] =	stream.linear.gather @p2 [hbm4b:s25+s3], $0x80, $0x38;
	[tilespmem:$0x19040] =	vst v63  }
0x31: {  	s25 =	sshll.u32 @p2 s21, $0xF;
	_ =	swait.ge @p2 [sflag:s14], $0x100;
	s23 =	ssub.s32 @p2 s23, s26  }
0x32: {  	s25 =	sand.u32 @p2 $0x8000, s25;
	[sflag:s14] =	ssyncset.done @p2 $0x0;
	s23 =	sshll.u32 @p2 s23, $0x7  }
0x33: {  	s26 =	sor.u32 @p2 $0x200, s25;
	[sflag:s14] =	ssyncadd.s32 @p2 $0xFFFFFF00;
	s23 =	sadd.s32 @p2 s23, s2  }
0x34: {  	[tilespmem:s26], [sflag:$0x3] =	stream.linear.gather @p2 [spmem:s23], $0x8000, $0x38;
	[tilespmem:$0x19040] =	vst v63  }
0x35: {  	_ =	swait.ge @p2 [sflag:s14], $0x8000  }
0x36: {  	[sflag:s14] =	ssyncset.done @p2 $0x0  }
0x37: {  	[sflag:s14] =	ssyncadd.s32 @p2 $0xFFFF8000  }
0x38: {  	[tilespmem:s26], [sflag:$0x1] =	stream.indirect.gather.add.f32 @p2 [hbm:s6], $0x80, s24, s16, $0xb8;
	[tilespmem:$0x19040] =	vst v63  }
0x39: {  	s23 =	sor.u32 @p2 $0x4200, s25  }
0x3a: {  	[tilespmem:s23], [sflag:$0x1] =	stream.indirect.gather.add.f32 @p2 [hbm:s6], $0x80, s28, s16, $0xb8;
	[tilespmem:$0x19040] =	vst v63  }
0x3b: {  	_ =	swait.ge [sflag:s18], $0x4000  }
0x3c: {  	[sflag:s18] =	ssyncset.done $0x0  }
0x3d: {  	[sflag:s18] =	ssyncadd.s32 $0xFFFFC000  }
0x3e: {  	s26 =	sand.u32 $0x1, s22;
	_ =	swait.ge [sflag:s18], $0x4000  }
0x3f: {  	s29 =	sshll.u32 s22, $0x7;
	s30 =	sshll.u32 s26, $0xF;
	[sflag:s18] =	ssyncset.done $0x0  }
0x40: {  	s23 =	sand.u32 $0x80, s29;
	s25 =	sor.u32 $0x220, s30;
	[sflag:s18] =	ssyncadd.s32 $0xFFFFC000  }
0x41: {  	v0 =	vmov s23;
	v1 =	vld [tilespmem:s25+$0xFFFFFFE0];
	_ =	sdelay $0x1  }
0x42: {  	s24 =	simm.s32 $0x0  }
0x43: {  	s31 =	sand.u32 $0x40, s24;
	s28 =	sand.u32 $0x7F00, s24  }
0x44: {  	s26 =	sor.u32 s31, s28  }
0x45: {  	[tilespmem:v0+s26+$0x10200 ss:$0x1] =	vst.idx.msk $0xffff, v1  }
0x46: {  	v1 =	vld [tilespmem:s25+$0xFFFFFFF0];
	_ =	sdelay $0x2  }
0x47: {  	s26 =	sadd.s32 s23, s26  }
0x48: {  	s26 =	sadd.s32 $0x10200, s26  }
0x49: {  	[tilespmem:s26+$0x10] =	vst v1  }
0x4a: {  	v1 =	vld [tilespmem:s25+$0x0];
	_ =	sdelay $0x4  }
0x4b: {  	[tilespmem:s26+$0x20] =	vst v1  }
0x4c: {  	v1 =	vld [tilespmem:s25+$0x10];
	_ =	sdelay $0x4  }
0x4d: {  	s25 =	sadd.s32 $0x80, s25;
	[tilespmem:s26+$0x30] =	vst v1  }
0x4e: {  	s28 =	simm.s32 $0x100;
	s26 =	simm.s32 $0x80;
	v1 =	vld [tilespmem:s25+$0xFFFFFFE0]  }
.LBB2_4:
0x4f: {  	p1 =	sne.s32 s28, $0x7F80  }
0x50: {  	s24 =	sadd.s32 $0x40, s24  }
0x51: {  	s30 =	sand.u32 $0x7F00, s26;
	s26 =	smov.u32 s28;
	s29 =	sand.u32 $0x40, s24  }
0x52: {  	s29 =	sor.u32 s29, s30  }
0x53: {  	[tilespmem:v0+s29+$0x10200 ss:$0x1] =	vst.idx.msk $0xffff, v1  }
0x54: {  	v1 =	vld [tilespmem:s25+$0xFFFFFFF0];
	_ =	sdelay $0x2  }
0x55: {  	s29 =	sadd.s32 s23, s29  }
0x56: {  	s29 =	sadd.s32 $0x10200, s29  }
0x57: {  	[tilespmem:s29+$0x10] =	vst v1  }
0x58: {  	v1 =	vld [tilespmem:s25+$0x0];
	_ =	sdelay $0x4  }
0x59: {  	[tilespmem:s29+$0x20] =	vst v1  }
0x5a: {  	v1 =	vld [tilespmem:s25+$0x10];
	_ =	sdelay $0x1  }
.Ltmp0:
0x5b: {  	(pc) =	sbr.rel @p1 .LBB2_4-.Ltmp0, $3  }
0x5c: {  	_ =	sdelay $0x1  }
0x5d: {  	s25 =	sadd.s32 $0x80, s25;
	[tilespmem:s29+$0x30] =	vst v1  }
0x5e: {  	s28 =	sadd.s32 $0x80, s28;
	v1 =	vld [tilespmem:s25+$0xFFFFFFE0]  }
0x5f: {  	_ = 	snop  }
0x60: {  	s24 =	sadd.s32 $0x40, s24  }
0x61: {  	s26 =	sand.u32 $0x7F00, s26;
	s24 =	sand.u32 $0x40, s24  }
0x62: {  	s24 =	sor.u32 s24, s26  }
0x63: {  	[tilespmem:v0+s24+$0x10200 ss:$0x1] =	vst.idx.msk $0xffff, v1  }
0x64: {  	v0 =	vld [tilespmem:s25+$0xFFFFFFF0];
	_ =	sdelay $0x2  }
0x65: {  	s24 =	sadd.s32 s23, s24  }
0x66: {  	s24 =	sadd.s32 $0x10200, s24  }
0x67: {  	[tilespmem:s24+$0x10] =	vst v0  }
0x68: {  	v0 =	vld [tilespmem:s25+$0x0];
	_ =	sdelay $0x4  }
0x69: {  	[tilespmem:s24+$0x20] =	vst v0  }
0x6a: {  	v0 =	vld [tilespmem:s25+$0x10]  }
0x6b: {  	s22 =	sshll.u32 s22, $0xE  }
0x6c: {  	s22 =	sadd.s32 s9, s22  }
0x6d: {  	s22 =	sshrl.u32 s22, $0x3  }
0x6e: {  	s22 =	sadd.s32 s1, s22;
	s23 =	sor.u32 $0x10200, s23  }
0x6f: {  	s26 =	sadd.s32 $0x0, s22;
	s25 =	sadd.s32 $0x100, s23;
	[tilespmem:s24+$0x30] =	vst v0;
	s24 =	simm.s32 $0x10  }
.LBB2_6:
0x70: {  	[hbm4b:s26+s3] =	stream.linear.scatter [tilespmem:s23], [sflag:$0x2], $0x80, $0x38;
	[tilespmem:$0x19040] =	vst v63  }
0x71: {  	s26 =	smov.u32 s24;
	s23 =	smov.u32 s25;
	p1 =	seq.s32 s24, $0x7F0  }
.Ltmp1:
0x72: {  	s24 =	sadd.s32 $0x10, s24;
	(pc) =	sbr.rel @!p1 .LBB2_6-.Ltmp1, $2  }
0x73: {  	_ =	sdelay $0x2  }
0x74: {  	s25 =	sadd.s32 $0x100, s25;
	s26 =	sadd.s32 s26, s22  }
0x75: {  	[hbm4b:s26+s3] =	stream.linear.scatter [tilespmem:s23], [sflag:$0x2], $0x80, $0x38;
	[tilespmem:$0x19040] =	vst v63  }
0x76: {  	p1 =	sgt.u32 s21, $0x63  }
.Ltmp2:
0x77: {  	_ = 	snop;
	(pc) =	sbr.rel @!p1 .LBB2_3-.Ltmp2, $2  }
0x78: {  	_ =	sdelay $0x2  }
0x79: {  	s22 =	smov.u32 s21  }
0x7a: {  	s20 =	sadd.s32 $0x1, s20  }
0x7b: {  	_ =	swait.ge [sflag:s19], $0x4000;
	p1 =	sne.s32 s20, s10  }
.Ltmp3:
0x7c: {  	[sflag:s19] =	ssyncset.done $0x0;
	(pc) =	sbr.rel @p1 .LBB2_1-.Ltmp3, $4  }
0x7d: {  	[sflag:s19] =	ssyncadd.s32 $0xFFFFC000  }
0x7e: {  	_ =	swait.ge [sflag:s19], $0x4000  }
0x7f: {  	[sflag:s19] =	ssyncset.done $0x0  }
0x80: {  	[sflag:s19] =	ssyncadd.s32 $0xFFFFC000  }
0x81: {  	_ =	sfence.sel $0x180000  }
0x82: {  	[bflag:$0x0] =	sbarrier.arrive $0xFFFF  }
0x83: {  	_ =	strace $0x90000047  }
0x84: {  	s0 =	sadd.s32 @!p0 $0x100000, s0;
	[bflag:$0x2] =	sbarrier.arrive $0xFFFF  }
0x85: {  	[sflag:s0] =	ssyncadd.tile.s32 @!p0 $0x1;
	_ =	shalt  }
.Lfunc_end2:
_tile_overlayer_lowered:
.L_overlay_start_2:
0x86: {  	(tag) =	ssettag $0x2  }
0x87: {  	s0 =	rddreg [dreg:$0x0];
	s2 =	stileid.u32  }
0x88: {  	s1 =	rddreg [dreg:$0x1];
	p0 =	sne.s32 s2, $0x0  }
0x89: {  	s3 =	rddreg [dreg:$0x2];
	[bflag:$0x3] =	sbarrier.arrive $0xFFFF;
	s2 =	simm.s32 @!p0 $0x1C03  }
0x8a: {  	[timem:s3], [sflag:s2] =	dma.local @!p0 [hbm:s0], s1  }
0x8b: {  	s0 =	simm.s32 @!p0 $0x3  }
0x8c: {  	_ =	swait.ge @!p0 [sflag:s0], s1  }
0x8d: {  	s1 =	ssub.s32 @!p0 $0x0, s1;
	[sflag:s0] =	ssyncset.done @!p0 $0x0  }
0x8e: {  	[sflag:s0] =	ssyncadd.s32 @!p0 s1  }
0x8f: {  	[bflag:$0x3] =	sbarrier.arrive $0xFFFF  }
0x90: {  	_ =	shalt  }

// kernel: sparse-core-data-format-call.cloned.1.call-start
scs
called_computation_lowered:
.L_overlay_start_0:
0x0: {  	s2 =	sld [smem:$0x3FD9]  }
0x1: {  	s3 =	sld [smem:$0x3FFE];
	_ =	sdelay $0x1  }
0x2: {  	s1 =	srdreg.scid  }
0x3: {  	s0 =	sand.u32 $0x1, s1  }
0x4: {  	s18 =	sshll.u32 s0, $0xA;
	s2 =	sadd.s32 s3, s2  }
0x5: {  	s2 =	sadd.s32 s2, s18  }
0x6: {  	[smem:$0x3FC6] =	sst s2  }
0x7: {  	_ = 	snop  }
0x8: {  	s2 =	sld [smem:$0x3FD0];
	(tm) =	ssettm $0x1  }
0x9: {  	s19 =	sld [smem:$0x3FFB];
	_ =	sdelay $0x3  }
0xa: {  	_ =	strace s19  }
0xb: {  	s3 =	sld [smem:$0x3FFC];
	_ =	sdelay $0x3  }
0xc: {  	_ =	strace s3  }
0xd: {  	s3 =	sld [smem:$0x3FFD];
	_ =	sdelay $0x3  }
0xe: {  	_ =	strace s3  }
0xf: {  	_ =	strace $0x8FFFFFFF  }
0x10: {  	s20 =	sld [smem:$0x3FDB];
	_ =	sdelay $0x1  }
0x11: {  	s4 =	simm.s32 $_scs_section_size  }
0x12: {  	s5 =	simm.s32 $_size__tile_overlayer_lowered;
	s6 =	simm.s32 $_tile_overlayer_lowered  }
0x13: {  	s23 =	simm.s32 $0x1BFF;
	s22 =	sshll.u32 s6, $0x1;
	s3 =	sadd.s32 s4, s20  }
0x14: {  	s7 =	simm.s32 $0x0;
	s21 =	sshll.u32 s5, $0x1;
	s5 =	sadd.s32 s22, s3  }
0x15: {  	[timem:s7], [sflag:s23] =	dma.local [hbm:s5], s21  }
0x16: {  	_ =	swait.ge [sflag:s23], s21  }
0x17: {  	s4 =	ssub.s32 $0x0, s21;
	[sflag:s23] =	ssyncset.done $0x0  }
0x18: {  	[sflag:s23] =	ssyncadd.s32 s4;
	_ =	sdelay $0x1  }
0x19: {  	s24 =	simm.s32 $0x1B8B  }
0x1a: {  	_ =	swait.ge [sflag:s24], $0x1  }
0x1b: {  	[sflag:s24] =	ssyncset.done $0x0  }
0x1c: {  	s26 =	simm.s32 $0x1B8E;
	s25 =	sld [smem:$0x3FFE];
	[sflag:s24] =	ssyncadd.s32 $0xFFFFFFFF  }
0x1d: {  	s27 =	simm.s32 $execute0_lowered;
	[smem:$0x3FD2] =	sst s26  }
0x1e: {  	s5 =	sshll.u32 s27, $0x1;
	_ =	strace $0x80000049;
	[dreg:$0x1] =	wrdreg $0xFFFFFFFF  }
0x1f: {  	s28 =	simm.s32 $_size_execute0_lowered;
	s3 =	sadd.s32 s3, s5;
	[dreg:$0x0] =	wrdreg $0x0  }
0x20: {  	s5 =	sshll.u32 s28, $0x1;
	[dreg:$0x2] =	wrdreg s3  }
0x21: {  	[dreg:$0x3] =	wrdreg s5  }
0x22: {  	[dreg:$0x4] =	wrdreg $0xC0  }
0x23: {  	_ =	task [dreg:s7], $0x5FFFF  }
0x24: {  	[dreg:$0x1] =	wrdreg $0xFFFFFFFF  }
0x25: {  	[dreg:$0x0] =	wrdreg $0x60  }
0x26: {  	[dreg:$0x2] =	wrdreg s25  }
0x27: {  	[dreg:$0x3] =	wrdreg s2  }
0x28: {  	[dreg:$0x4] =	wrdreg $0x9  }
0x29: {  	_ =	task.clear_ibuf [dreg:s7], $0x5FFFF;
	_ =	strace $0x90000049  }
0x2a: {  	s29 =	simm.s32 $0x9;
	_ =	strace $0x8000004B  }
0x2b: {  	_ =	swait.ge [sflag:s29], $0x1  }
0x2c: {  	[sflag:s29] =	ssyncadd.s32 $0xFFFFFFFF  }
0x2d: {  	_ =	strace $0x9000004B  }
0x2e: {  	_ =	sfence  }
0x2f: {  	s30 =	sld [smem:$0x0];
	_ =	sdelay $0x2  }
0x30: {  	s31 =	sshll.u32 s1, $0xD;
	s1 =	sshrl.u32 s1, $0x2  }
0x31: {  	s3 =	sand.u32 $0x4000, s31;
	s1 =	sadd.s32 s1, s30  }
0x32: {  	s0 =	sor.u32 s3, s0;
	s1 =	sshll.u32 s1, $0x11  }
0x33: {  	s0 =	sor.u32 s1, s0  }
0x34: {  	s0 =	sadd.s32 $0x8F2B, s0  }
0x35: {  	[sflag:s0] =	ssyncadd.remote.s32 $0x1  }
0x36: {  	_ =	sfence.sel $0xFFFF  }
0x37: {  	[dreg:$0x0] =	wrdreg $0xFFFFFFFF;
	(pc) =	sbr.abs _section_cstart, $3  }
0x38: {  	[dreg:$0x1] =	wrdreg $0xFFFFFFFF  }
0x39: {  	_ =	task.clear_ibuf [dreg:s7], $0x2FFFF;
	_ =	strace $0x9FFFFFFF  }
0x3a: {  	(tm) =	ssettm $0x7FFFFFFF  }
0x3b: {  	_ =	shalt  }
tec
execute0_lowered:
.L_overlay_start_1:
0x0: {  	(tag) =	ssettag $0x1  }
0x1: {  	s0 =	srdreg.scid  }
0x2: {  	s1 =	sshll.u32 s0, $0x4  }
0x3: {  	s0 =	stileid.u32;
	s1 =	sand.u32 $0x10, s1  }
0x4: {  	s1 =	sor.u32 s0, s1  }
0x5: {  	s6 =	rddreg [dreg:$0x0];
	s4 =	simm.s32 $0x1;
	s2 =	sshll.u32 s1, $0x7  }
0x6: {  	s7 =	simm.s32 $0x2;
	s12 =	simm.s32 $0x0;
	s1 =	ssub.s32 $0x1000, s2  }
0x7: {  	s8 =	simm.s32 $0x8000;
	s13 =	simm.s32 $0x0;
	s3 =	sand.u32 $0xF80, s1  }
0x8: {  	s9 =	simm.s32 $0x0;
	s5 =	sshrl.u32 s1, $0xC;
	p0 =	sne.s32 s3, $0x0  }
.Ltmp0:
0x9: {  	s1 =	rddreg [dreg:$0x2];
	s4 =	simm.s32 @!p0 $0x0;
	(pc) =	sbr.rel .LBB1_1-.Ltmp0, $4  }
0xa: {  	s11 =	simm.s32 $0x0;
	s3 =	rddreg [dreg:$0x1];
	s5 =	sadd.s32 s4, s5  }
0xb: {  	_ =	strace $0x8000004A;
	s4 =	simm.s32 $0x1;
	s5 =	smul.u32 $0xC8, s5  }
0xc: {  	s6 =	sadd.s32 $0xC00, s6;
	s10 =	smov.u32 s2;
	[sflag:s4] =	ssyncpa.u1 $0x0  }
0xd: {  	p0 =	por $0x0, $0x0;
	[sflag:s7] =	ssyncpa.u1 $0x0;
	s7 =	sor.u32 $0x1, s5  }
.LBB1_4:
0xe: {  	s16 =	sshll.u32 s13, $0x3;
	s17 =	sand.u32 $0x78, s13  }
0xf: {  	s30 =	sand.u32 $0x7E00, s13;
	s12 =	sshll.u32 s12, $0xF;
	s16 =	sand.u32 $0xC00, s16  }
0x10: {  	[tilespmem:s15+$0x810 ss:$0x81] =	vst.msk $0xffff, v2;
	s31 =	sand.u32 $0x7, s13;
	s16 =	sor.u32 s17, s16;
	s17 =	sadd.s32 s3, s30  }
0x11: {  	[tilespmem:s15+$0x1020 ss:$0x81] =	vst.msk $0xffff, v0;
	s13 =	sshll.u32 s31, $0x12;
	s12 =	sadd.s32 s12, s17;
	s16 =	sshrl.u32 s16, $0x3  }
0x12: {  	[tilespmem:s15+$0x0 ss:$0x81] =	vst.msk $0xffff, v1;
	s13 =	sor.u32 $0x400, s13;
	s12 =	sadd.s32 s16, s12  }
0x13: {  	[hbm4b:s12+s13] =	stream.strided.scatter [tilespmem:s14], [sflag:$0x2], $0x2000, s8, s13, $0x20;
	[tilespmem:$0x8080] =	vst v63  }
.LBB1_5:
0x14: {  	s14 =	sadd.s32 $0x1, s9  }
0x15: {  	s12 =	sadd.s32 $0x1000, s10;
	s16 =	smov.u32 s10;
	p2 =	sgt.s32 s14, $0xC7  }
0x16: {  	s16 =	smov.u32 @p2 s12  }
0x17: {  	s14 =	simm.s32 @p2 $0x0;
	p2 =	sgt.s32 s16, $0xFFF  }
0x18: {  	s16 =	smov.u32 @p2 s2;
	p2 =	sne.s32 s11, s7  }
.Ltmp1:
0x19: {  	p1 =	slt.u32 s11, $0x2;
	(pc) =	sbr.rel @!p2 .LBB1_6-.Ltmp1, $4  }
0x1a: {  	s15 =	simm.s32 @!p1 $0x2  }
0x1b: {  	s13 =	smov.u32 s10;
	p0 =	por !p0, !p0;
	_ =	swait.ge @!p1 [sflag:s15], $0x2000  }
0x1c: {  	s12 =	smov.u32 s9;
	[sflag:s15] =	ssyncset.done @!p1 $0x0;
	s9 =	smov.u32 s14  }
0x1d: {  	s11 =	sadd.s32 $0x1, s11;
	[sflag:s15] =	ssyncadd.s32 @!p1 $0xFFFFE000;
	s10 =	smov.u32 s16  }
.LBB1_1:
0x1e: {  	p1 =	sge.u32 s11, s5  }
0x1f: {  	s14 =	sand.u32 @!p1 $0x1FFFFFF, s9  }
0x20: {  	s15 =	smulhi.u32 @!p1 $0x147AE15, s14;
	_ =	sdelay $0x1  }
0x21: {  	s15 =	smul.u32 @!p1 $0xC8, s15  }
0x22: {  	s16 =	sxor.u32 @!p1 $0xFFFFFFFF, s11;
	s17 =	smul.u32 @!p1 $0xC80, s10  }
0x23: {  	s31 =	sadd.s32 $0xFFFFFFFF, s11;
	s16 =	sshll.u32 @!p1 s16, $0xD;
	s14 =	ssub.s32 @!p1 s14, s15  }
0x24: {  	s15 =	sand.u32 @!p1 $0x2000, s16;
	s16 =	sadd.s32 @!p1 s6, s17;
	s14 =	sshll.u32 @!p1 s14, $0x4  }
0x25: {  	s17 =	simm.s32 @!p1 $0x6400;
	s14 =	sadd.s32 @!p1 s14, s16;
	s16 =	simm.s32 @!p1 $0x40  }
0x26: {  	[tilespmem:s15], [sflag:$0x1] =	stream.strided.gather @!p1 [hbm4b:s14+s16], $0x2000, s17, s16, $0x38;
	[tilespmem:$0x8080] =	vst v63  }
0x27: {  	p1 =	sge.u32 s31, s5  }
.Ltmp2:
0x28: {  	_ = 	snop;
	(pc) =	sbr.rel @p1 .LBB1_5-.Ltmp2, $1  }
0x29: {  	_ =	sdelay $0x3  }
0x2a: {  	s14 =	simm.s32 $0x1  }
0x2b: {  	_ =	swait.ge [sflag:s4], $0x2000;
	s14 =	simm.s32 @!p0 $0x0  }
0x2c: {  	[sflag:s4] =	ssyncset.done $0x0;
	s15 =	sshll.u32 s14, $0xD  }
0x2d: {  	[sflag:s4] =	ssyncadd.s32 $0xFFFFE000;
	s18 =	sor.u32 $0x20, s15  }
0x2e: {  	s14 =	smul.u32 $0x8100, s14;
	v3 =	vld [tilespmem:s18+$0x10]  }
0x2f: {  	s30 =	sand.u32 $0x1, s11;
	v2 =	vld [tilespmem:s18+$0xFFFFFFF0]  }
0x30: {  	s15 =	smul.u32 $0x8100, s30;
	s14 =	sshrl.u32 s14, $0x2;
	v0 =	vld [tilespmem:s18+$0x0]  }
0x31: {  	v1 =	vld [tilespmem:s18+$0xFFFFFFE0];
	s16 =	sor.u32 $0x4000, s14  }
0x32: {  	s31 =	sshrl.u32 s15, $0x2;
	s15 =	sadd.s32 $0x0, s16  }
0x33: {  	s17 =	simm.s32 $0x4;
	s18 =	sadd.s32 $0x40, s18;
	s14 =	sor.u32 $0x4000, s31;
	[tilespmem:s15+$0x1830 ss:$0x81] =	vst.msk $0xffff, v3  }
.LBB1_3:
0x34: {  	v3 =	vld [tilespmem:s18+$0x10];
	p1 =	sne.s32 s17, $0x1FC;
	[tilespmem:s15+$0x810 ss:$0x81] =	vst.msk $0xffff, v2;
	s19 =	smov.u32 s17;
	s17 =	sadd.s32 $0x4, s17  }
.Ltmp3:
0x35: {  	v2 =	vld [tilespmem:s18+$0xFFFFFFF0];
	[tilespmem:s15+$0x1020 ss:$0x81] =	vst.msk $0xffff, v0;
	(pc) =	sbr.rel @p1 .LBB1_3-.Ltmp3, $4  }
0x36: {  	v0 =	vld [tilespmem:s18+$0x0];
	[tilespmem:s15+$0x0 ss:$0x81] =	vst.msk $0xffff, v1  }
0x37: {  	s15 =	sshra.s32 s19, $0x2;
	v1 =	vld [tilespmem:s18+$0xFFFFFFE0]  }
0x38: {  	s15 =	sadd.s32 s15, s16  }
0x39: {  	s18 =	sadd.s32 $0x40, s18;
	[tilespmem:s15+$0x1830 ss:$0x81] =	vst.msk $0xffff, v3  }
.Ltmp4:
0x3a: {  	_ = 	snop;
	(pc) =	sbr.rel .LBB1_4-.Ltmp4, $1  }
0x3b: {  	_ =	sdelay $0x3  }
.LBB1_6:
0x3c: {  	_ =	sfence.sel $0x180000  }
0x3d: {  	s2 =	simm.s32 $0x1;
	[bflag:$0x0] =	sbarrier.arrive $0xFFFF  }
0x3e: {  	s31 =	simm.s32 $0x2;
	[sflag:s2] =	ssyncpa.u1 $0x1  }
0x3f: {  	[sflag:s31] =	ssyncpa.u1 $0x1  }
0x40: {  	p0 =	sne.s32 s0, $0x0;
	_ =	strace $0x9000004A  }
0x41: {  	s0 =	sadd.s32 @!p0 $0x100000, s1;
	[bflag:$0x2] =	sbarrier.arrive $0xFFFF  }
0x42: {  	[sflag:s0] =	ssyncadd.tile.s32 @!p0 $0x1;
	_ =	shalt  }
.Lfunc_end1:
_tile_overlayer_lowered:
.L_overlay_start_2:
0x43: {  	(tag) =	ssettag $0x2  }
0x44: {  	s0 =	rddreg [dreg:$0x0];
	s2 =	stileid.u32  }
0x45: {  	s1 =	rddreg [dreg:$0x1];
	p0 =	sne.s32 s2, $0x0  }
0x46: {  	s3 =	rddreg [dreg:$0x2];
	[bflag:$0x3] =	sbarrier.arrive $0xFFFF;
	s2 =	simm.s32 @!p0 $0x1C01  }
0x47: {  	[timem:s3], [sflag:s2] =	dma.local @!p0 [hbm:s0], s1  }
0x48: {  	s0 =	simm.s32 @!p0 $0x1  }
0x49: {  	_ =	swait.ge @!p0 [sflag:s0], s1  }
0x4a: {  	s1 =	ssub.s32 @!p0 $0x0, s1;
	[sflag:s0] =	ssyncset.done @!p0 $0x0  }
0x4b: {  	[sflag:s0] =	ssyncadd.s32 @!p0 s1  }
0x4c: {  	[bflag:$0x3] =	sbarrier.arrive $0xFFFF  }
0x4d: {  	_ =	shalt  }

</sc_bundles>
